<compile_context>
chip_gen: v7x
topology: tpu7x:2x2x1
jax: 0.10.2.dev20260603
libtpu: 0.0.44.dev20260713+nightly
codegen_flags: <defaults>
</compile_context>

<pallas_src>
import functools

import jax
import jax.numpy as jnp
from jax import lax
from jax.experimental import pallas as pl
from jax.experimental.pallas import tpu as pltpu
from jax.experimental.pallas import tpu_sc as plsc

NUM_NODES = 10000
NUM_EDGES = 320000
D = 128
HALF = NUM_NODES // 2
ACC_ROWS = NUM_NODES + 8

NC = 2
NS = 16

CHUNK = 128
NUM_CHUNKS = NUM_EDGES // CHUNK
NBUF = 3
ROWS_PT = 320
ROWS_PT_LAST = HALF - ROWS_PT * (NS - 1)


def _split_and_zeros(ids2d):
    def body(ids_ref, o_ref, z_ref):
        s = jnp.sum((ids_ref[...] < HALF).astype(jnp.int32))
        o_ref[...] = jnp.full((1, 16), s, jnp.int32)
        z_ref[...] = jnp.zeros((ROWS_PT, D), jnp.float32)

    out, zeros2d = pl.pallas_call(
        body,
        out_shape=[
            jax.ShapeDtypeStruct((1, 16), jnp.int32),
            jax.ShapeDtypeStruct((ROWS_PT, D), jnp.float32),
        ],
    )(ids2d)
    return out.reshape(16), zeros2d


def _sc_segment_sum(E2d, ids3d, zeros2d, split16):
    mesh = plsc.VectorSubcoreMesh(core_axis_name="c", subcore_axis_name="s")

    @functools.partial(
        pl.kernel,
        out_type=jax.ShapeDtypeStruct((NUM_NODES, D), jnp.float32),
        mesh=mesh,
        scratch_types=[
            pltpu.VMEM((NBUF, CHUNK, D), jnp.float32),
            pltpu.VMEM((NBUF, 1, CHUNK), jnp.int32),
            pltpu.VMEM_SHARED((ACC_ROWS, D), jnp.float32),
            pltpu.VMEM((16,), jnp.int32),
            pltpu.SemaphoreType.DMA((NBUF,)),
            pltpu.SemaphoreType.DMA((NBUF,)),
        ],
    )
    def k(e_hbm, ids_hbm, zeros_hbm, split_hbm, out_hbm,
          rows_v, idx_v, acc_s, split_m, sem_r, sem_i):
        cid = lax.axis_index("c")
        sid = lax.axis_index("s")

        pltpu.sync_copy(split_hbm, split_m)
        split = split_m[...][0]
        lo_c = jnp.where(cid == 0, 0, split // CHUNK)
        hi_c = jnp.where(cid == 0, (split + CHUNK - 1) // CHUNK, NUM_CHUNKS)
        base = cid * HALF

        @pl.when(sid < NS - 1)
        def _():
            pltpu.sync_copy(
                zeros_hbm,
                acc_s.at[pl.ds(base + sid * ROWS_PT, ROWS_PT)],
            )

        @pl.when(sid == NS - 1)
        def _():
            pltpu.sync_copy(
                zeros_hbm.at[pl.ds(0, ROWS_PT_LAST)],
                acc_s.at[pl.ds(base + (NS - 1) * ROWS_PT, ROWS_PT_LAST)],
            )

        plsc.subcore_barrier()

        per = (hi_c - lo_c + NS - 1) // NS
        t_lo = lo_c + sid * per
        t_hi = jnp.minimum(t_lo + per, hi_c)

        def start(it, b):
            j = t_lo + it

            @pl.when(j < t_hi)
            def _():
                pltpu.async_copy(ids_hbm.at[j], idx_v.at[b], sem_i.at[b])
                pltpu.async_copy(
                    e_hbm.at[pl.ds(j * CHUNK, CHUNK)], rows_v.at[b], sem_r.at[b]
                )

        def finish(it, b):
            j = t_lo + it

            @pl.when(j < t_hi)
            def _():
                pltpu.make_async_copy(ids_hbm.at[j], idx_v.at[b], sem_i.at[b]).wait()
                pltpu.make_async_copy(
                    e_hbm.at[pl.ds(j * CHUNK, CHUNK)], rows_v.at[b], sem_r.at[b]
                ).wait()
                pltpu.sync_copy(rows_v.at[b], acc_s.at[idx_v.at[b, 0]], add=True)

        start(0, 0)
        start(1, 1)

        my_n = jnp.maximum(t_hi - t_lo, 0)

        def body(kk, _):
            for b in range(NBUF):
                it = kk * NBUF + b
                start(it + 2, (b + 2) % NBUF)
                finish(it, b)
            return ()

        lax.fori_loop(0, (my_n + NBUF - 1) // NBUF + 1, body, ())
        plsc.subcore_barrier()

        @pl.when(sid < NS - 1)
        def _():
            pltpu.sync_copy(
                acc_s.at[pl.ds(base + sid * ROWS_PT, ROWS_PT)],
                out_hbm.at[pl.ds(base + sid * ROWS_PT, ROWS_PT)],
            )

        @pl.when(sid == NS - 1)
        def _():
            pltpu.sync_copy(
                acc_s.at[pl.ds(base + (NS - 1) * ROWS_PT, ROWS_PT_LAST)],
                out_hbm.at[pl.ds(base + (NS - 1) * ROWS_PT, ROWS_PT_LAST)],
            )

    return k(E2d, ids3d, zeros2d, split16)


@jax.jit
def kernel(V_set, E_set, node_ids):
    E2d = E_set[0]
    ids3d = node_ids[0].reshape(NUM_CHUNKS, 1, CHUNK)
    split16, zeros2d = _split_and_zeros(node_ids[0].reshape(NUM_EDGES // D, D))
    out = _sc_segment_sum(E2d, ids3d, zeros2d, split16)
    return out[jnp.newaxis]

# --- scband reference (transcript-rebuilt; emitter-appended) ---
"""Pipeline reference for scband-scatter-and-aggregate-layer-86028194939132 (READ-ONLY COPY).

The authoritative reference and input builder live on the scoring server;
editing this copy changes nothing except your own understanding.
"""

import jax, jax.numpy as jnp
import numpy as np


def setup_inputs(seed: int = 0) -> dict:
    key = jax.random.key(seed)
    k1, k2, k3 = jax.random.split(key, 3)
    V_set = jax.random.normal(k1, (1, 10000, 128), dtype=jnp.float32)
    E_set = jax.random.normal(k2, (1, 320000, 128), dtype=jnp.float32)
    node_ids = jnp.sort(jax.random.randint(k3, (1, 320000), 0, 10000, dtype=jnp.int32), axis=-1)
    return {"V_set": V_set, "E_set": E_set, "node_ids": node_ids}


def reference(V_set, E_set, node_ids):
    # tf.math.segment_sum(E_set[0], node_ids[0]) produces [max(ids)+1, d];
    # the layer then zero-pads rows up to V_set.shape[1]. Using a fixed
    # num_segments == num_nodes reproduces exactly that padded result.
    num_nodes = V_set.shape[1]
    agg = jax.ops.segment_sum(E_set[0], node_ids[0], num_segments=num_nodes)
    return agg[jnp.newaxis, ...]

if __name__ == "__main__":
    import jax
    _d = setup_inputs()
    print(jax.jit(kernel)(*tuple(_d.values())))

</pallas_src>

<mosaic_0001>
#map = affine_map<(d0, d1) -> (0, 0)>
#map1 = affine_map<(d0, d1) -> (0, 0, 0)>
#map2 = affine_map<(d0, d1) -> (0)>
module attributes {stable_mosaic.version = 14 : i64} {
  func.func @k(%arg0: i32, %arg1: i32, %arg2: memref<320000x128xf32, #tpu.memory_space<hbm>>, %arg3: memref<2500x1x128xi32, #tpu.memory_space<hbm>>, %arg4: memref<320x128xf32, #tpu.memory_space<hbm>>, %arg5: memref<16xi32, #tpu.memory_space<hbm>>, %arg6: memref<10000x128xf32, #tpu.memory_space<hbm>>, %arg7: memref<3x128x128xf32, #tpu.memory_space<vmem>>, %arg8: memref<3x1x128xi32, #tpu.memory_space<vmem>>, %arg9: memref<10008x128xf32, #tpu.memory_space<vmem_shared>>, %arg10: memref<16xi32, #tpu.memory_space<vmem>>, %arg11: memref<3x!tpu.dma_semaphore, #tpu.memory_space<semaphore_mem>>, %arg12: memref<3x!tpu.dma_semaphore, #tpu.memory_space<semaphore_mem>>) attributes {dimension_semantics = [#tpu.dimension_semantics<core_parallel>, #tpu.dimension_semantics<subcore_parallel>], iteration_bounds = array<i64: 2, 16>, scalar_prefetch = 0 : i64, scratch_operands = 6 : i64, tpu.core_type = #tpu.core_type<sc_vector_subcore>, window_params = [{transform_indices = #map}, {transform_indices = #map1}, {transform_indices = #map}, {transform_indices = #map2}, {transform_indices = #map}]} {
    "tpu.region"() ({
      %run_scoped3A = tpu.sem_alloc : memref<!tpu.dma_semaphore, #tpu.memory_space<semaphore_mem>>
      tpu.enqueue_dma source(%arg5 : memref<16xi32, #tpu.memory_space<hbm>>) target(%arg10 : memref<16xi32, #tpu.memory_space<vmem>>) target_semaphore(%run_scoped3A : memref<!tpu.dma_semaphore, #tpu.memory_space<semaphore_mem>>)
      tpu.wait_dma2 semaphore(%run_scoped3A : memref<!tpu.dma_semaphore, #tpu.memory_space<semaphore_mem>>) src(%arg5 : memref<16xi32, #tpu.memory_space<hbm>>) dst(%arg10 : memref<16xi32, #tpu.memory_space<vmem>>)
      tpu.yield
    }) : () -> ()
    %get3A = arith.constant 0 : index
    %get3A_0 = tpu.vector_load %arg10[%get3A] {strides = array<i32>} : memref<16xi32, #tpu.memory_space<vmem>>, vector<16xi32>,
    %get3A_1 = vector.shape_cast %get3A_0 : vector<16xi32> to vector<16xi32>
    %slice3A = vector.extract_strided_slice %get3A_1 {offsets = [0], sizes = [1], strides = [1]} : vector<16xi32> to vector<1xi32>
    %squeeze3A = vector.extract %slice3A[0] : i32 from vector<1xi32>
    %eq3A = arith.constant 0 : i32
    %eq3A_2 = arith.cmpi eq, %arg0, %eq3A : i32
    %jit3A = arith.constant 128 : i32
    %div3A = arith.divsi %squeeze3A, %jit3A : i32
    %sign3A = arith.constant 0 : i32
    %sign3A_3 = arith.cmpi sgt, %squeeze3A, %sign3A : i32
    %sign3A_4 = arith.extui %sign3A_3 : i1 to i32
    %sign3A_5 = arith.constant 0 : i32
    %sign3A_6 = arith.cmpi slt, %squeeze3A, %sign3A_5 : i32
    %sign3A_7 = arith.extui %sign3A_6 : i1 to i32
    %sign3A_8 = arith.subi %sign3A_4, %sign3A_7 : i32
    %sign3A_9 = arith.constant 0 : i32
    %sign3A_10 = arith.cmpi sgt, %jit3A, %sign3A_9 : i32
    %sign3A_11 = arith.extui %sign3A_10 : i1 to i32
    %sign3A_12 = arith.constant 0 : i32
    %sign3A_13 = arith.cmpi slt, %jit3A, %sign3A_12 : i32
    %sign3A_14 = arith.extui %sign3A_13 : i1 to i32
    %sign3A_15 = arith.subi %sign3A_11, %sign3A_14 : i32
    %ne3A = arith.cmpi ne, %sign3A_8, %sign3A_15 : i32
    %rem3A = arith.remsi %squeeze3A, %jit3A : i32
    %ne3A_16 = arith.constant 0 : i32
    %ne3A_17 = arith.cmpi ne, %rem3A, %ne3A_16 : i32
    %and3A = arith.andi %ne3A, %ne3A_17 : i1
    %sub3A = arith.constant 1 : i32
    %sub3A_18 = arith.subi %div3A, %sub3A : i32
    %select_n3A = arith.select %and3A, %sub3A_18, %div3A : i32
    %jit3A_19 = arith.constant 0 : i32
    %select_n3A_20 = arith.select %eq3A_2, %jit3A_19, %select_n3A : i32
    %eq3A_21 = arith.constant 0 : i32
    %eq3A_22 = arith.cmpi eq, %arg0, %eq3A_21 : i32
    %add3A = arith.constant 128 : i32
    %add3A_23 = arith.addi %squeeze3A, %add3A : i32
    %sub3A_24 = arith.constant 1 : i32
    %sub3A_25 = arith.subi %add3A_23, %sub3A_24 : i32
    %jit3A_26 = arith.constant 128 : i32
    %div3A_27 = arith.divsi %sub3A_25, %jit3A_26 : i32
    %sign3A_28 = arith.constant 0 : i32
    %sign3A_29 = arith.cmpi sgt, %sub3A_25, %sign3A_28 : i32
    %sign3A_30 = arith.extui %sign3A_29 : i1 to i32
    %sign3A_31 = arith.constant 0 : i32
    %sign3A_32 = arith.cmpi slt, %sub3A_25, %sign3A_31 : i32
    %sign3A_33 = arith.extui %sign3A_32 : i1 to i32
    %sign3A_34 = arith.subi %sign3A_30, %sign3A_33 : i32
    %sign3A_35 = arith.constant 0 : i32
    %sign3A_36 = arith.cmpi sgt, %jit3A_26, %sign3A_35 : i32
    %sign3A_37 = arith.extui %sign3A_36 : i1 to i32
    %sign3A_38 = arith.constant 0 : i32
    %sign3A_39 = arith.cmpi slt, %jit3A_26, %sign3A_38 : i32
    %sign3A_40 = arith.extui %sign3A_39 : i1 to i32
    %sign3A_41 = arith.subi %sign3A_37, %sign3A_40 : i32
    %ne3A_42 = arith.cmpi ne, %sign3A_34, %sign3A_41 : i32
    %rem3A_43 = arith.remsi %sub3A_25, %jit3A_26 : i32
    %ne3A_44 = arith.constant 0 : i32
    %ne3A_45 = arith.cmpi ne, %rem3A_43, %ne3A_44 : i32
    %and3A_46 = arith.andi %ne3A_42, %ne3A_45 : i1
    %sub3A_47 = arith.constant 1 : i32
    %sub3A_48 = arith.subi %div3A_27, %sub3A_47 : i32
    %select_n3A_49 = arith.select %and3A_46, %sub3A_48, %div3A_27 : i32
    %jit3A_50 = arith.constant 2500 : i32
    %select_n3A_51 = arith.select %eq3A_22, %select_n3A_49, %jit3A_50 : i32
    %mul3A = arith.constant 5000 : i32
    %mul3A_52 = arith.muli %arg0, %mul3A : i32
    %lt3A = arith.constant 15 : i32
    %lt3A_53 = arith.cmpi slt, %arg1, %lt3A : i32
    %convert_element_type3A = arith.extui %lt3A_53 : i1 to i32
    %cond3A = arith.constant 0 : i32
    %cond3A_54 = arith.cmpi ne, %convert_element_type3A, %cond3A : i32
    scf.if %cond3A_54 {
      %mul3A_155 = arith.constant 320 : i32
      %mul3A_156 = arith.muli %arg1, %mul3A_155 : i32
      %add3A_157 = arith.addi %mul3A_52, %mul3A_156 : i32
      "tpu.region"() ({
        %run_scoped3A = tpu.sem_alloc : memref<!tpu.dma_semaphore, #tpu.memory_space<semaphore_mem>>
        %dma_start3A = arith.constant 0 : i32
        %dma_start3A_158 = tpu.memref_slice %arg9[%add3A_157, %dma_start3A] : memref<10008x128xf32, #tpu.memory_space<vmem_shared>> -> memref<320x128xf32, #tpu.memory_space<vmem_shared>>
        tpu.enqueue_dma source(%arg4 : memref<320x128xf32, #tpu.memory_space<hbm>>) target(%dma_start3A_158 : memref<320x128xf32, #tpu.memory_space<vmem_shared>>) target_semaphore(%run_scoped3A : memref<!tpu.dma_semaphore, #tpu.memory_space<semaphore_mem>>)
        %dma_wait3A = arith.constant 0 : i32
        %dma_wait3A_159 = tpu.memref_slice %arg9[%add3A_157, %dma_wait3A] : memref<10008x128xf32, #tpu.memory_space<vmem_shared>> -> memref<320x128xf32, #tpu.memory_space<vmem_shared>>
        tpu.wait_dma2 semaphore(%run_scoped3A : memref<!tpu.dma_semaphore, #tpu.memory_space<semaphore_mem>>) src(%arg4 : memref<320x128xf32, #tpu.memory_space<hbm>>) dst(%dma_wait3A_159 : memref<320x128xf32, #tpu.memory_space<vmem_shared>>)
        tpu.yield
      }) : () -> ()
    } else {
    }
    %eq3A_55 = arith.constant 15 : i32
    %eq3A_56 = arith.cmpi eq, %arg1, %eq3A_55 : i32
    %convert_element_type3A_57 = arith.extui %eq3A_56 : i1 to i32
    %cond3A_58 = arith.constant 0 : i32
    %cond3A_59 = arith.cmpi ne, %convert_element_type3A_57, %cond3A_58 : i32
    scf.if %cond3A_59 {
      %add3A_155 = arith.constant 4800 : i32
      %add3A_156 = arith.addi %mul3A_52, %add3A_155 : i32
      "tpu.region"() ({
        %run_scoped3A = tpu.sem_alloc : memref<!tpu.dma_semaphore, #tpu.memory_space<semaphore_mem>>
        %dma_start3A = arith.constant 0 : i32
        %dma_start3A_157 = tpu.memref_slice %arg9[%add3A_156, %dma_start3A] : memref<10008x128xf32, #tpu.memory_space<vmem_shared>> -> memref<200x128xf32, #tpu.memory_space<vmem_shared>>
        %dma_start3A_158 = arith.constant 0 : i32
        %dma_start3A_159 = arith.constant 0 : i32
        %dma_start3A_160 = tpu.memref_slice %arg4[%dma_start3A_158, %dma_start3A_159] : memref<320x128xf32, #tpu.memory_space<hbm>> -> memref<200x128xf32, #tpu.memory_space<hbm>>
        tpu.enqueue_dma source(%dma_start3A_160 : memref<200x128xf32, #tpu.memory_space<hbm>>) target(%dma_start3A_157 : memref<200x128xf32, #tpu.memory_space<vmem_shared>>) target_semaphore(%run_scoped3A : memref<!tpu.dma_semaphore, #tpu.memory_space<semaphore_mem>>)
        %dma_wait3A = arith.constant 0 : i32
        %dma_wait3A_161 = tpu.memref_slice %arg9[%add3A_156, %dma_wait3A] : memref<10008x128xf32, #tpu.memory_space<vmem_shared>> -> memref<200x128xf32, #tpu.memory_space<vmem_shared>>
        %dma_wait3A_162 = arith.constant 0 : i32
        %dma_wait3A_163 = arith.constant 0 : i32
        %dma_wait3A_164 = tpu.memref_slice %arg4[%dma_wait3A_162, %dma_wait3A_163] : memref<320x128xf32, #tpu.memory_space<hbm>> -> memref<200x128xf32, #tpu.memory_space<hbm>>
        tpu.wait_dma2 semaphore(%run_scoped3A : memref<!tpu.dma_semaphore, #tpu.memory_space<semaphore_mem>>) src(%dma_wait3A_164 : memref<200x128xf32, #tpu.memory_space<hbm>>) dst(%dma_wait3A_161 : memref<200x128xf32, #tpu.memory_space<vmem_shared>>)
        tpu.yield
      }) : () -> ()
    } else {
    }
    %barrier3A = arith.constant 0 : index
    tpu.barrier barrier_id(%barrier3A)
    %sub3A_60 = arith.subi %select_n3A_51, %select_n3A_20 : i32
    %add3A_61 = arith.constant 16 : i32
    %add3A_62 = arith.addi %sub3A_60, %add3A_61 : i32
    %sub3A_63 = arith.constant 1 : i32
    %sub3A_64 = arith.subi %add3A_62, %sub3A_63 : i32
    %jit3A_65 = arith.constant 16 : i32
    %div3A_66 = arith.divsi %sub3A_64, %jit3A_65 : i32
    %sign3A_67 = arith.constant 0 : i32
    %sign3A_68 = arith.cmpi sgt, %sub3A_64, %sign3A_67 : i32
    %sign3A_69 = arith.extui %sign3A_68 : i1 to i32
    %sign3A_70 = arith.constant 0 : i32
    %sign3A_71 = arith.cmpi slt, %sub3A_64, %sign3A_70 : i32
    %sign3A_72 = arith.extui %sign3A_71 : i1 to i32
    %sign3A_73 = arith.subi %sign3A_69, %sign3A_72 : i32
    %sign3A_74 = arith.constant 0 : i32
    %sign3A_75 = arith.cmpi sgt, %jit3A_65, %sign3A_74 : i32
    %sign3A_76 = arith.extui %sign3A_75 : i1 to i32
    %sign3A_77 = arith.constant 0 : i32
    %sign3A_78 = arith.cmpi slt, %jit3A_65, %sign3A_77 : i32
    %sign3A_79 = arith.extui %sign3A_78 : i1 to i32
    %sign3A_80 = arith.subi %sign3A_76, %sign3A_79 : i32
    %ne3A_81 = arith.cmpi ne, %sign3A_73, %sign3A_80 : i32
    %rem3A_82 = arith.remsi %sub3A_64, %jit3A_65 : i32
    %ne3A_83 = arith.constant 0 : i32
    %ne3A_84 = arith.cmpi ne, %rem3A_82, %ne3A_83 : i32
    %and3A_85 = arith.andi %ne3A_81, %ne3A_84 : i1
    %sub3A_86 = arith.constant 1 : i32
    %sub3A_87 = arith.subi %div3A_66, %sub3A_86 : i32
    %select_n3A_88 = arith.select %and3A_85, %sub3A_87, %div3A_66 : i32
    %mul3A_89 = arith.muli %arg1, %select_n3A_88 : i32
    %add3A_90 = arith.addi %select_n3A_20, %mul3A_89 : i32
    %add3A_91 = arith.addi %add3A_90, %select_n3A_88 : i32
    %min3A = arith.minsi %add3A_91, %select_n3A_51 : i32
    %add3A_92 = arith.constant 0 : i32
    %add3A_93 = arith.addi %add3A_90, %add3A_92 : i32
    %lt3A_94 = arith.cmpi slt, %add3A_93, %min3A : i32
    %convert_element_type3A_95 = arith.extui %lt3A_94 : i1 to i32
    %cond3A_96 = arith.constant 0 : i32
    %cond3A_97 = arith.cmpi ne, %convert_element_type3A_95, %cond3A_96 : i32
    scf.if %cond3A_97 {
      %dma_start3A = arith.constant 0 : i32
      %dma_start3A_155 = arith.constant 0 : i32
      %dma_start3A_156 = arith.constant 0 : i32
      %dma_start3A_157 = arith.constant 0 : i32
      %dma_start3A_158 = tpu.memref_slice %arg8[%dma_start3A, %dma_start3A_156, %dma_start3A_157] : memref<3x1x128xi32, #tpu.memory_space<vmem>> -> memref<1x1x128xi32, #tpu.memory_space<vmem>>
      %dma_start3A_159 = tpu.memref_squeeze %dma_start3A_158 : memref<1x1x128xi32, #tpu.memory_space<vmem>> -> memref<1x128xi32, #tpu.memory_space<vmem>>
      %dma_start3A_160 = arith.constant 0 : i32
      %dma_start3A_161 = arith.constant 0 : i32
      %dma_start3A_162 = tpu.memref_slice %arg3[%add3A_93, %dma_start3A_160, %dma_start3A_161] : memref<2500x1x128xi32, #tpu.memory_space<hbm>> -> memref<1x1x128xi32, #tpu.memory_space<hbm>>
      %dma_start3A_163 = tpu.memref_squeeze %dma_start3A_162 : memref<1x1x128xi32, #tpu.memory_space<hbm>> -> memref<1x128xi32, #tpu.memory_space<hbm>>
      %dma_start3A_164 = tpu.memref_slice %arg12[%dma_start3A_155] : memref<3x!tpu.dma_semaphore, #tpu.memory_space<semaphore_mem>> -> memref<1x!tpu.dma_semaphore, #tpu.memory_space<semaphore_mem>>
      %dma_start3A_165 = tpu.memref_squeeze %dma_start3A_164 : memref<1x!tpu.dma_semaphore, #tpu.memory_space<semaphore_mem>> -> memref<!tpu.dma_semaphore, #tpu.memory_space<semaphore_mem>>
      %dma_start3A_166 = arith.constant 0 : i32
      %dma_start3A_167 = arith.constant 0 : i32
      %dma_start3A_168 = tpu.memref_slice %arg8[%dma_start3A, %dma_start3A_166, %dma_start3A_167] : memref<3x1x128xi32, #tpu.memory_space<vmem>> -> memref<1x1x128xi32, #tpu.memory_space<vmem>>
      %dma_start3A_169 = tpu.memref_squeeze %dma_start3A_168 : memref<1x1x128xi32, #tpu.memory_space<vmem>> -> memref<1x128xi32, #tpu.memory_space<vmem>>
      %dma_start3A_170 = arith.constant 0 : i32
      %dma_start3A_171 = arith.constant 0 : i32
      %dma_start3A_172 = tpu.memref_slice %arg3[%add3A_93, %dma_start3A_170, %dma_start3A_171] : memref<2500x1x128xi32, #tpu.memory_space<hbm>> -> memref<1x1x128xi32, #tpu.memory_space<hbm>>
      %dma_start3A_173 = tpu.memref_squeeze %dma_start3A_172 : memref<1x1x128xi32, #tpu.memory_space<hbm>> -> memref<1x128xi32, #tpu.memory_space<hbm>>
      tpu.enqueue_dma source(%dma_start3A_173 : memref<1x128xi32, #tpu.memory_space<hbm>>) target(%dma_start3A_169 : memref<1x128xi32, #tpu.memory_space<vmem>>) target_semaphore(%dma_start3A_165 : memref<!tpu.dma_semaphore, #tpu.memory_space<semaphore_mem>>)
      %mul3A_174 = arith.constant 128 : i32
      %mul3A_175 = arith.muli %add3A_93, %mul3A_174 : i32
      %dma_start3A_176 = arith.constant 0 : i32
      %dma_start3A_177 = arith.constant 0 : i32
      %dma_start3A_178 = arith.constant 0 : i32
      %dma_start3A_179 = arith.constant 0 : i32
      %dma_start3A_180 = tpu.memref_slice %arg7[%dma_start3A_176, %dma_start3A_178, %dma_start3A_179] : memref<3x128x128xf32, #tpu.memory_space<vmem>> -> memref<1x128x128xf32, #tpu.memory_space<vmem>>
      %dma_start3A_181 = tpu.memref_squeeze %dma_start3A_180 : memref<1x128x128xf32, #tpu.memory_space<vmem>> -> memref<128x128xf32, #tpu.memory_space<vmem>>
      %dma_start3A_182 = arith.constant 0 : i32
      %dma_start3A_183 = tpu.memref_slice %arg2[%mul3A_175, %dma_start3A_182] : memref<320000x128xf32, #tpu.memory_space<hbm>> -> memref<128x128xf32, #tpu.memory_space<hbm>>
      %dma_start3A_184 = tpu.memref_slice %arg11[%dma_start3A_177] : memref<3x!tpu.dma_semaphore, #tpu.memory_space<semaphore_mem>> -> memref<1x!tpu.dma_semaphore, #tpu.memory_space<semaphore_mem>>
      %dma_start3A_185 = tpu.memref_squeeze %dma_start3A_184 : memref<1x!tpu.dma_semaphore, #tpu.memory_space<semaphore_mem>> -> memref<!tpu.dma_semaphore, #tpu.memory_space<semaphore_mem>>
      %dma_start3A_186 = arith.constant 0 : i32
      %dma_start3A_187 = arith.constant 0 : i32
      %dma_start3A_188 = tpu.memref_slice %arg7[%dma_start3A_176, %dma_start3A_186, %dma_start3A_187] : memref<3x128x128xf32, #tpu.memory_space<vmem>> -> memref<1x128x128xf32, #tpu.memory_space<vmem>>
      %dma_start3A_189 = tpu.memref_squeeze %dma_start3A_188 : memref<1x128x128xf32, #tpu.memory_space<vmem>> -> memref<128x128xf32, #tpu.memory_space<vmem>>
      %dma_start3A_190 = arith.constant 0 : i32
      %dma_start3A_191 = tpu.memref_slice %arg2[%mul3A_175, %dma_start3A_190] : memref<320000x128xf32, #tpu.memory_space<hbm>> -> memref<128x128xf32, #tpu.memory_space<hbm>>
      tpu.enqueue_dma source(%dma_start3A_191 : memref<128x128xf32, #tpu.memory_space<hbm>>) target(%dma_start3A_189 : memref<128x128xf32, #tpu.memory_space<vmem>>) target_semaphore(%dma_start3A_185 : memref<!tpu.dma_semaphore, #tpu.memory_space<semaphore_mem>>)
    } else {
    }
    %add3A_98 = arith.constant 1 : i32
    %add3A_99 = arith.addi %add3A_90, %add3A_98 : i32
    %lt3A_100 = arith.cmpi slt, %add3A_99, %min3A : i32
    %convert_element_type3A_101 = arith.extui %lt3A_100 : i1 to i32
    %cond3A_102 = arith.constant 0 : i32
    %cond3A_103 = arith.cmpi ne, %convert_element_type3A_101, %cond3A_102 : i32
    scf.if %cond3A_103 {
      %dma_start3A = arith.constant 1 : i32
      %dma_start3A_155 = arith.constant 1 : i32
      %dma_start3A_156 = arith.constant 0 : i32
      %dma_start3A_157 = arith.constant 0 : i32
      %dma_start3A_158 = tpu.memref_slice %arg8[%dma_start3A, %dma_start3A_156, %dma_start3A_157] : memref<3x1x128xi32, #tpu.memory_space<vmem>> -> memref<1x1x128xi32, #tpu.memory_space<vmem>>
      %dma_start3A_159 = tpu.memref_squeeze %dma_start3A_158 : memref<1x1x128xi32, #tpu.memory_space<vmem>> -> memref<1x128xi32, #tpu.memory_space<vmem>>
      %dma_start3A_160 = arith.constant 0 : i32
      %dma_start3A_161 = arith.constant 0 : i32
      %dma_start3A_162 = tpu.memref_slice %arg3[%add3A_99, %dma_start3A_160, %dma_start3A_161] : memref<2500x1x128xi32, #tpu.memory_space<hbm>> -> memref<1x1x128xi32, #tpu.memory_space<hbm>>
      %dma_start3A_163 = tpu.memref_squeeze %dma_start3A_162 : memref<1x1x128xi32, #tpu.memory_space<hbm>> -> memref<1x128xi32, #tpu.memory_space<hbm>>
      %dma_start3A_164 = tpu.memref_slice %arg12[%dma_start3A_155] : memref<3x!tpu.dma_semaphore, #tpu.memory_space<semaphore_mem>> -> memref<1x!tpu.dma_semaphore, #tpu.memory_space<semaphore_mem>>
      %dma_start3A_165 = tpu.memref_squeeze %dma_start3A_164 : memref<1x!tpu.dma_semaphore, #tpu.memory_space<semaphore_mem>> -> memref<!tpu.dma_semaphore, #tpu.memory_space<semaphore_mem>>
      %dma_start3A_166 = arith.constant 0 : i32
      %dma_start3A_167 = arith.constant 0 : i32
      %dma_start3A_168 = tpu.memref_slice %arg8[%dma_start3A, %dma_start3A_166, %dma_start3A_167] : memref<3x1x128xi32, #tpu.memory_space<vmem>> -> memref<1x1x128xi32, #tpu.memory_space<vmem>>
      %dma_start3A_169 = tpu.memref_squeeze %dma_start3A_168 : memref<1x1x128xi32, #tpu.memory_space<vmem>> -> memref<1x128xi32, #tpu.memory_space<vmem>>
      %dma_start3A_170 = arith.constant 0 : i32
      %dma_start3A_171 = arith.constant 0 : i32
      %dma_start3A_172 = tpu.memref_slice %arg3[%add3A_99, %dma_start3A_170, %dma_start3A_171] : memref<2500x1x128xi32, #tpu.memory_space<hbm>> -> memref<1x1x128xi32, #tpu.memory_space<hbm>>
      %dma_start3A_173 = tpu.memref_squeeze %dma_start3A_172 : memref<1x1x128xi32, #tpu.memory_space<hbm>> -> memref<1x128xi32, #tpu.memory_space<hbm>>
      tpu.enqueue_dma source(%dma_start3A_173 : memref<1x128xi32, #tpu.memory_space<hbm>>) target(%dma_start3A_169 : memref<1x128xi32, #tpu.memory_space<vmem>>) target_semaphore(%dma_start3A_165 : memref<!tpu.dma_semaphore, #tpu.memory_space<semaphore_mem>>)
      %mul3A_174 = arith.constant 128 : i32
      %mul3A_175 = arith.muli %add3A_99, %mul3A_174 : i32
      %dma_start3A_176 = arith.constant 1 : i32
      %dma_start3A_177 = arith.constant 1 : i32
      %dma_start3A_178 = arith.constant 0 : i32
      %dma_start3A_179 = arith.constant 0 : i32
      %dma_start3A_180 = tpu.memref_slice %arg7[%dma_start3A_176, %dma_start3A_178, %dma_start3A_179] : memref<3x128x128xf32, #tpu.memory_space<vmem>> -> memref<1x128x128xf32, #tpu.memory_space<vmem>>
      %dma_start3A_181 = tpu.memref_squeeze %dma_start3A_180 : memref<1x128x128xf32, #tpu.memory_space<vmem>> -> memref<128x128xf32, #tpu.memory_space<vmem>>
      %dma_start3A_182 = arith.constant 0 : i32
      %dma_start3A_183 = tpu.memref_slice %arg2[%mul3A_175, %dma_start3A_182] : memref<320000x128xf32, #tpu.memory_space<hbm>> -> memref<128x128xf32, #tpu.memory_space<hbm>>
      %dma_start3A_184 = tpu.memref_slice %arg11[%dma_start3A_177] : memref<3x!tpu.dma_semaphore, #tpu.memory_space<semaphore_mem>> -> memref<1x!tpu.dma_semaphore, #tpu.memory_space<semaphore_mem>>
      %dma_start3A_185 = tpu.memref_squeeze %dma_start3A_184 : memref<1x!tpu.dma_semaphore, #tpu.memory_space<semaphore_mem>> -> memref<!tpu.dma_semaphore, #tpu.memory_space<semaphore_mem>>
      %dma_start3A_186 = arith.constant 0 : i32
      %dma_start3A_187 = arith.constant 0 : i32
      %dma_start3A_188 = tpu.memref_slice %arg7[%dma_start3A_176, %dma_start3A_186, %dma_start3A_187] : memref<3x128x128xf32, #tpu.memory_space<vmem>> -> memref<1x128x128xf32, #tpu.memory_space<vmem>>
      %dma_start3A_189 = tpu.memref_squeeze %dma_start3A_188 : memref<1x128x128xf32, #tpu.memory_space<vmem>> -> memref<128x128xf32, #tpu.memory_space<vmem>>
      %dma_start3A_190 = arith.constant 0 : i32
      %dma_start3A_191 = tpu.memref_slice %arg2[%mul3A_175, %dma_start3A_190] : memref<320000x128xf32, #tpu.memory_space<hbm>> -> memref<128x128xf32, #tpu.memory_space<hbm>>
      tpu.enqueue_dma source(%dma_start3A_191 : memref<128x128xf32, #tpu.memory_space<hbm>>) target(%dma_start3A_189 : memref<128x128xf32, #tpu.memory_space<vmem>>) target_semaphore(%dma_start3A_185 : memref<!tpu.dma_semaphore, #tpu.memory_space<semaphore_mem>>)
    } else {
    }
    %sub3A_104 = arith.subi %min3A, %add3A_90 : i32
    %max3A = arith.constant 0 : i32
    %max3A_105 = arith.maxsi %sub3A_104, %max3A : i32
    %add3A_106 = arith.constant 3 : i32
    %add3A_107 = arith.addi %max3A_105, %add3A_106 : i32
    %sub3A_108 = arith.constant 1 : i32
    %sub3A_109 = arith.subi %add3A_107, %sub3A_108 : i32
    %jit3A_110 = arith.constant 3 : i32
    %div3A_111 = arith.divsi %sub3A_109, %jit3A_110 : i32
    %sign3A_112 = arith.constant 0 : i32
    %sign3A_113 = arith.cmpi sgt, %sub3A_109, %sign3A_112 : i32
    %sign3A_114 = arith.extui %sign3A_113 : i1 to i32
    %sign3A_115 = arith.constant 0 : i32
    %sign3A_116 = arith.cmpi slt, %sub3A_109, %sign3A_115 : i32
    %sign3A_117 = arith.extui %sign3A_116 : i1 to i32
    %sign3A_118 = arith.subi %sign3A_114, %sign3A_117 : i32
    %sign3A_119 = arith.constant 0 : i32
    %sign3A_120 = arith.cmpi sgt, %jit3A_110, %sign3A_119 : i32
    %sign3A_121 = arith.extui %sign3A_120 : i1 to i32
    %sign3A_122 = arith.constant 0 : i32
    %sign3A_123 = arith.cmpi slt, %jit3A_110, %sign3A_122 : i32
    %sign3A_124 = arith.extui %sign3A_123 : i1 to i32
    %sign3A_125 = arith.subi %sign3A_121, %sign3A_124 : i32
    %ne3A_126 = arith.cmpi ne, %sign3A_118, %sign3A_125 : i32
    %rem3A_127 = arith.remsi %sub3A_109, %jit3A_110 : i32
    %ne3A_128 = arith.constant 0 : i32
    %ne3A_129 = arith.cmpi ne, %rem3A_127, %ne3A_128 : i32
    %and3A_130 = arith.andi %ne3A_126, %ne3A_129 : i1
    %sub3A_131 = arith.constant 1 : i32
    %sub3A_132 = arith.subi %div3A_111, %sub3A_131 : i32
    %select_n3A_133 = arith.select %and3A_130, %sub3A_132, %div3A_111 : i32
    %add3A_134 = arith.constant 1 : i32
    %add3A_135 = arith.addi %select_n3A_133, %add3A_134 : i32
    %while3A = arith.constant 0 : i32
    %while3A_136 = arith.subi %add3A_135, %while3A : i32
    %while3A_137 = arith.addi %while3A, %while3A_136 : i32
    %while3A_138 = arith.constant 1 : i32
    %while3A_139 = arith.divsi %while3A_136, %while3A_138 : i32
    %while3A_140 = arith.muli %while3A_139, %while3A_138 : i32
    %while3A_141 = arith.addi %while3A, %while3A_140 : i32
    %while3A_142 = arith.constant 1 : i32
    scf.for %while3A_155 = %while3A to %while3A_141 step %while3A_142  : i32 {
      %mul3A_156 = arith.constant 3 : i32
      %mul3A_157 = arith.muli %while3A_155, %mul3A_156 : i32
      %add3A_158 = arith.constant 0 : i32
      %add3A_159 = arith.addi %mul3A_157, %add3A_158 : i32
      %add3A_160 = arith.constant 2 : i32
      %add3A_161 = arith.addi %add3A_159, %add3A_160 : i32
      %add3A_162 = arith.addi %add3A_90, %add3A_161 : i32
      %lt3A_163 = arith.cmpi slt, %add3A_162, %min3A : i32
      %convert_element_type3A_164 = arith.extui %lt3A_163 : i1 to i32
      %cond3A_165 = arith.constant 0 : i32
      %cond3A_166 = arith.cmpi ne, %convert_element_type3A_164, %cond3A_165 : i32
      scf.if %cond3A_166 {
        %dma_start3A = arith.constant 2 : i32
        %dma_start3A_204 = arith.constant 2 : i32
        %dma_start3A_205 = arith.constant 0 : i32
        %dma_start3A_206 = arith.constant 0 : i32
        %dma_start3A_207 = tpu.memref_slice %arg8[%dma_start3A, %dma_start3A_205, %dma_start3A_206] : memref<3x1x128xi32, #tpu.memory_space<vmem>> -> memref<1x1x128xi32, #tpu.memory_space<vmem>>
        %dma_start3A_208 = tpu.memref_squeeze %dma_start3A_207 : memref<1x1x128xi32, #tpu.memory_space<vmem>> -> memref<1x128xi32, #tpu.memory_space<vmem>>
        %dma_start3A_209 = arith.constant 0 : i32
        %dma_start3A_210 = arith.constant 0 : i32
        %dma_start3A_211 = tpu.memref_slice %arg3[%add3A_162, %dma_start3A_209, %dma_start3A_210] : memref<2500x1x128xi32, #tpu.memory_space<hbm>> -> memref<1x1x128xi32, #tpu.memory_space<hbm>>
        %dma_start3A_212 = tpu.memref_squeeze %dma_start3A_211 : memref<1x1x128xi32, #tpu.memory_space<hbm>> -> memref<1x128xi32, #tpu.memory_space<hbm>>
        %dma_start3A_213 = tpu.memref_slice %arg12[%dma_start3A_204] : memref<3x!tpu.dma_semaphore, #tpu.memory_space<semaphore_mem>> -> memref<1x!tpu.dma_semaphore, #tpu.memory_space<semaphore_mem>>
        %dma_start3A_214 = tpu.memref_squeeze %dma_start3A_213 : memref<1x!tpu.dma_semaphore, #tpu.memory_space<semaphore_mem>> -> memref<!tpu.dma_semaphore, #tpu.memory_space<semaphore_mem>>
        %dma_start3A_215 = arith.constant 0 : i32
        %dma_start3A_216 = arith.constant 0 : i32
        %dma_start3A_217 = tpu.memref_slice %arg8[%dma_start3A, %dma_start3A_215, %dma_start3A_216] : memref<3x1x128xi32, #tpu.memory_space<vmem>> -> memref<1x1x128xi32, #tpu.memory_space<vmem>>
        %dma_start3A_218 = tpu.memref_squeeze %dma_start3A_217 : memref<1x1x128xi32, #tpu.memory_space<vmem>> -> memref<1x128xi32, #tpu.memory_space<vmem>>
        %dma_start3A_219 = arith.constant 0 : i32
        %dma_start3A_220 = arith.constant 0 : i32
        %dma_start3A_221 = tpu.memref_slice %arg3[%add3A_162, %dma_start3A_219, %dma_start3A_220] : memref<2500x1x128xi32, #tpu.memory_space<hbm>> -> memref<1x1x128xi32, #tpu.memory_space<hbm>>
        %dma_start3A_222 = tpu.memref_squeeze %dma_start3A_221 : memref<1x1x128xi32, #tpu.memory_space<hbm>> -> memref<1x128xi32, #tpu.memory_space<hbm>>
        tpu.enqueue_dma source(%dma_start3A_222 : memref<1x128xi32, #tpu.memory_space<hbm>>) target(%dma_start3A_218 : memref<1x128xi32, #tpu.memory_space<vmem>>) target_semaphore(%dma_start3A_214 : memref<!tpu.dma_semaphore, #tpu.memory_space<semaphore_mem>>)
        %mul3A_223 = arith.constant 128 : i32
        %mul3A_224 = arith.muli %add3A_162, %mul3A_223 : i32
        %dma_start3A_225 = arith.constant 2 : i32
        %dma_start3A_226 = arith.constant 2 : i32
        %dma_start3A_227 = arith.constant 0 : i32
        %dma_start3A_228 = arith.constant 0 : i32
        %dma_start3A_229 = tpu.memref_slice %arg7[%dma_start3A_225, %dma_start3A_227, %dma_start3A_228] : memref<3x128x128xf32, #tpu.memory_space<vmem>> -> memref<1x128x128xf32, #tpu.memory_space<vmem>>
        %dma_start3A_230 = tpu.memref_squeeze %dma_start3A_229 : memref<1x128x128xf32, #tpu.memory_space<vmem>> -> memref<128x128xf32, #tpu.memory_space<vmem>>
        %dma_start3A_231 = arith.constant 0 : i32
        %dma_start3A_232 = tpu.memref_slice %arg2[%mul3A_224, %dma_start3A_231] : memref<320000x128xf32, #tpu.memory_space<hbm>> -> memref<128x128xf32, #tpu.memory_space<hbm>>
        %dma_start3A_233 = tpu.memref_slice %arg11[%dma_start3A_226] : memref<3x!tpu.dma_semaphore, #tpu.memory_space<semaphore_mem>> -> memref<1x!tpu.dma_semaphore, #tpu.memory_space<semaphore_mem>>
        %dma_start3A_234 = tpu.memref_squeeze %dma_start3A_233 : memref<1x!tpu.dma_semaphore, #tpu.memory_space<semaphore_mem>> -> memref<!tpu.dma_semaphore, #tpu.memory_space<semaphore_mem>>
        %dma_start3A_235 = arith.constant 0 : i32
        %dma_start3A_236 = arith.constant 0 : i32
        %dma_start3A_237 = tpu.memref_slice %arg7[%dma_start3A_225, %dma_start3A_235, %dma_start3A_236] : memref<3x128x128xf32, #tpu.memory_space<vmem>> -> memref<1x128x128xf32, #tpu.memory_space<vmem>>
        %dma_start3A_238 = tpu.memref_squeeze %dma_start3A_237 : memref<1x128x128xf32, #tpu.memory_space<vmem>> -> memref<128x128xf32, #tpu.memory_space<vmem>>
        %dma_start3A_239 = arith.constant 0 : i32
        %dma_start3A_240 = tpu.memref_slice %arg2[%mul3A_224, %dma_start3A_239] : memref<320000x128xf32, #tpu.memory_space<hbm>> -> memref<128x128xf32, #tpu.memory_space<hbm>>
        tpu.enqueue_dma source(%dma_start3A_240 : memref<128x128xf32, #tpu.memory_space<hbm>>) target(%dma_start3A_238 : memref<128x128xf32, #tpu.memory_space<vmem>>) target_semaphore(%dma_start3A_234 : memref<!tpu.dma_semaphore, #tpu.memory_space<semaphore_mem>>)
      } else {
      }
      %add3A_167 = arith.addi %add3A_90, %add3A_159 : i32
      %lt3A_168 = arith.cmpi slt, %add3A_167, %min3A : i32
      %convert_element_type3A_169 = arith.extui %lt3A_168 : i1 to i32
      %cond3A_170 = arith.constant 0 : i32
      %cond3A_171 = arith.cmpi ne, %convert_element_type3A_169, %cond3A_170 : i32
      scf.if %cond3A_171 {
        %dma_wait3A = arith.constant 0 : i32
        %dma_wait3A_204 = arith.constant 0 : i32
        %dma_wait3A_205 = arith.constant 0 : i32
        %dma_wait3A_206 = arith.constant 0 : i32
        %dma_wait3A_207 = tpu.memref_slice %arg8[%dma_wait3A, %dma_wait3A_205, %dma_wait3A_206] : memref<3x1x128xi32, #tpu.memory_space<vmem>> -> memref<1x1x128xi32, #tpu.memory_space<vmem>>
        %dma_wait3A_208 = tpu.memref_squeeze %dma_wait3A_207 : memref<1x1x128xi32, #tpu.memory_space<vmem>> -> memref<1x128xi32, #tpu.memory_space<vmem>>
        %dma_wait3A_209 = arith.constant 0 : i32
        %dma_wait3A_210 = arith.constant 0 : i32
        %dma_wait3A_211 = tpu.memref_slice %arg3[%add3A_167, %dma_wait3A_209, %dma_wait3A_210] : memref<2500x1x128xi32, #tpu.memory_space<hbm>> -> memref<1x1x128xi32, #tpu.memory_space<hbm>>
        %dma_wait3A_212 = tpu.memref_squeeze %dma_wait3A_211 : memref<1x1x128xi32, #tpu.memory_space<hbm>> -> memref<1x128xi32, #tpu.memory_space<hbm>>
        %dma_wait3A_213 = tpu.memref_slice %arg12[%dma_wait3A_204] : memref<3x!tpu.dma_semaphore, #tpu.memory_space<semaphore_mem>> -> memref<1x!tpu.dma_semaphore, #tpu.memory_space<semaphore_mem>>
        %dma_wait3A_214 = tpu.memref_squeeze %dma_wait3A_213 : memref<1x!tpu.dma_semaphore, #tpu.memory_space<semaphore_mem>> -> memref<!tpu.dma_semaphore, #tpu.memory_space<semaphore_mem>>
        %dma_wait3A_215 = arith.constant 0 : i32
        %dma_wait3A_216 = arith.constant 0 : i32
        %dma_wait3A_217 = tpu.memref_slice %arg8[%dma_wait3A, %dma_wait3A_215, %dma_wait3A_216] : memref<3x1x128xi32, #tpu.memory_space<vmem>> -> memref<1x1x128xi32, #tpu.memory_space<vmem>>
        %dma_wait3A_218 = tpu.memref_squeeze %dma_wait3A_217 : memref<1x1x128xi32, #tpu.memory_space<vmem>> -> memref<1x128xi32, #tpu.memory_space<vmem>>
        %dma_wait3A_219 = arith.constant 0 : i32
        %dma_wait3A_220 = arith.constant 0 : i32
        %dma_wait3A_221 = tpu.memref_slice %arg3[%add3A_167, %dma_wait3A_219, %dma_wait3A_220] : memref<2500x1x128xi32, #tpu.memory_space<hbm>> -> memref<1x1x128xi32, #tpu.memory_space<hbm>>
        %dma_wait3A_222 = tpu.memref_squeeze %dma_wait3A_221 : memref<1x1x128xi32, #tpu.memory_space<hbm>> -> memref<1x128xi32, #tpu.memory_space<hbm>>
        tpu.wait_dma2 semaphore(%dma_wait3A_214 : memref<!tpu.dma_semaphore, #tpu.memory_space<semaphore_mem>>) src(%dma_wait3A_222 : memref<1x128xi32, #tpu.memory_space<hbm>>) dst(%dma_wait3A_218 : memref<1x128xi32, #tpu.memory_space<vmem>>)
        %mul3A_223 = arith.constant 128 : i32
        %mul3A_224 = arith.muli %add3A_167, %mul3A_223 : i32
        %dma_wait3A_225 = arith.constant 0 : i32
        %dma_wait3A_226 = arith.constant 0 : i32
        %dma_wait3A_227 = arith.constant 0 : i32
        %dma_wait3A_228 = arith.constant 0 : i32
        %dma_wait3A_229 = tpu.memref_slice %arg7[%dma_wait3A_225, %dma_wait3A_227, %dma_wait3A_228] : memref<3x128x128xf32, #tpu.memory_space<vmem>> -> memref<1x128x128xf32, #tpu.memory_space<vmem>>
        %dma_wait3A_230 = tpu.memref_squeeze %dma_wait3A_229 : memref<1x128x128xf32, #tpu.memory_space<vmem>> -> memref<128x128xf32, #tpu.memory_space<vmem>>
        %dma_wait3A_231 = arith.constant 0 : i32
        %dma_wait3A_232 = tpu.memref_slice %arg2[%mul3A_224, %dma_wait3A_231] : memref<320000x128xf32, #tpu.memory_space<hbm>> -> memref<128x128xf32, #tpu.memory_space<hbm>>
        %dma_wait3A_233 = tpu.memref_slice %arg11[%dma_wait3A_226] : memref<3x!tpu.dma_semaphore, #tpu.memory_space<semaphore_mem>> -> memref<1x!tpu.dma_semaphore, #tpu.memory_space<semaphore_mem>>
        %dma_wait3A_234 = tpu.memref_squeeze %dma_wait3A_233 : memref<1x!tpu.dma_semaphore, #tpu.memory_space<semaphore_mem>> -> memref<!tpu.dma_semaphore, #tpu.memory_space<semaphore_mem>>
        %dma_wait3A_235 = arith.constant 0 : i32
        %dma_wait3A_236 = arith.constant 0 : i32
        %dma_wait3A_237 = tpu.memref_slice %arg7[%dma_wait3A_225, %dma_wait3A_235, %dma_wait3A_236] : memref<3x128x128xf32, #tpu.memory_space<vmem>> -> memref<1x128x128xf32, #tpu.memory_space<vmem>>
        %dma_wait3A_238 = tpu.memref_squeeze %dma_wait3A_237 : memref<1x128x128xf32, #tpu.memory_space<vmem>> -> memref<128x128xf32, #tpu.memory_space<vmem>>
        %dma_wait3A_239 = arith.constant 0 : i32
        %dma_wait3A_240 = tpu.memref_slice %arg2[%mul3A_224, %dma_wait3A_239] : memref<320000x128xf32, #tpu.memory_space<hbm>> -> memref<128x128xf32, #tpu.memory_space<hbm>>
        tpu.wait_dma2 semaphore(%dma_wait3A_234 : memref<!tpu.dma_semaphore, #tpu.memory_space<semaphore_mem>>) src(%dma_wait3A_240 : memref<128x128xf32, #tpu.memory_space<hbm>>) dst(%dma_wait3A_238 : memref<128x128xf32, #tpu.memory_space<vmem>>)
        %run_scoped3A = arith.constant 0 : i32
        %run_scoped3A_241 = arith.constant 0 : i32
        %run_scoped3A_242 = arith.constant 0 : i32
        "tpu.region"() ({
          %run_scoped3A_243 = tpu.sem_alloc : memref<!tpu.dma_semaphore, #tpu.memory_space<semaphore_mem>>
          %dma_start3A = arith.constant 0 : i32
          %dma_start3A_244 = arith.constant 0 : i32
          %dma_start3A_245 = tpu.memref_slice %arg7[%run_scoped3A, %dma_start3A, %dma_start3A_244] : memref<3x128x128xf32, #tpu.memory_space<vmem>> -> memref<1x128x128xf32, #tpu.memory_space<vmem>>
          %dma_start3A_246 = tpu.memref_squeeze %dma_start3A_245 : memref<1x128x128xf32, #tpu.memory_space<vmem>> -> memref<128x128xf32, #tpu.memory_space<vmem>>
          %dma_start3A_247 = arith.constant 0 : i32
          %dma_start3A_248 = tpu.memref_slice %arg8[%run_scoped3A_241, %run_scoped3A_242, %dma_start3A_247] : memref<3x1x128xi32, #tpu.memory_space<vmem>> -> memref<1x1x128xi32, #tpu.memory_space<vmem>>
          %dma_start3A_249 = tpu.memref_squeeze %dma_start3A_248 : memref<1x1x128xi32, #tpu.memory_space<vmem>> -> memref<128xi32, #tpu.memory_space<vmem>>
          %dma_start3A_250 = arith.constant 0 : i32
          %dma_start3A_251 = arith.constant 0 : i32
          %dma_start3A_252 = tpu.memref_slice %arg9[%dma_start3A_250, %dma_start3A_251] : memref<10008x128xf32, #tpu.memory_space<vmem_shared>> -> memref<10008x128xf32, #tpu.memory_space<vmem_shared>>
          tpu.enqueue_indirect_dma source(%dma_start3A_246 : memref<128x128xf32, #tpu.memory_space<vmem>>) target(%dma_start3A_252 : memref<10008x128xf32, #tpu.memory_space<vmem_shared>>) offsets(%dma_start3A_249 : memref<128xi32, #tpu.memory_space<vmem>>) semaphore(%run_scoped3A_243 : memref<!tpu.dma_semaphore, #tpu.memory_space<semaphore_mem>>) {add = true}
          %dma_wait3A_253 = arith.constant 0 : i32
          %dma_wait3A_254 = arith.constant 0 : i32
          %dma_wait3A_255 = tpu.memref_slice %arg7[%run_scoped3A, %dma_wait3A_253, %dma_wait3A_254] : memref<3x128x128xf32, #tpu.memory_space<vmem>> -> memref<1x128x128xf32, #tpu.memory_space<vmem>>
          %dma_wait3A_256 = tpu.memref_squeeze %dma_wait3A_255 : memref<1x128x128xf32, #tpu.memory_space<vmem>> -> memref<128x128xf32, #tpu.memory_space<vmem>>
          %dma_wait3A_257 = arith.constant 0 : i32
          %dma_wait3A_258 = tpu.memref_slice %arg8[%run_scoped3A_241, %run_scoped3A_242, %dma_wait3A_257] : memref<3x1x128xi32, #tpu.memory_space<vmem>> -> memref<1x1x128xi32, #tpu.memory_space<vmem>>
          %dma_wait3A_259 = tpu.memref_squeeze %dma_wait3A_258 : memref<1x1x128xi32, #tpu.memory_space<vmem>> -> memref<128xi32, #tpu.memory_space<vmem>>
          %dma_wait3A_260 = arith.constant 0 : i32
          %dma_wait3A_261 = arith.constant 0 : i32
          %dma_wait3A_262 = tpu.memref_slice %arg9[%dma_wait3A_260, %dma_wait3A_261] : memref<10008x128xf32, #tpu.memory_space<vmem_shared>> -> memref<10008x128xf32, #tpu.memory_space<vmem_shared>>
          tpu.wait_indirect_dma semaphore(%run_scoped3A_243 : memref<!tpu.dma_semaphore, #tpu.memory_space<semaphore_mem>>) src(%dma_wait3A_256 : memref<128x128xf32, #tpu.memory_space<vmem>>) dst(%dma_wait3A_262 : memref<10008x128xf32, #tpu.memory_space<vmem_shared>>)
          tpu.yield
        }) : () -> ()
      } else {
      }
      %mul3A_172 = arith.constant 3 : i32
      %mul3A_173 = arith.muli %while3A_155, %mul3A_172 : i32
      %add3A_174 = arith.constant 1 : i32
      %add3A_175 = arith.addi %mul3A_173, %add3A_174 : i32
      %add3A_176 = arith.constant 2 : i32
      %add3A_177 = arith.addi %add3A_175, %add3A_176 : i32
      %add3A_178 = arith.addi %add3A_90, %add3A_177 : i32
      %lt3A_179 = arith.cmpi slt, %add3A_178, %min3A : i32
      %convert_element_type3A_180 = arith.extui %lt3A_179 : i1 to i32
      %cond3A_181 = arith.constant 0 : i32
      %cond3A_182 = arith.cmpi ne, %convert_element_type3A_180, %cond3A_181 : i32
      scf.if %cond3A_182 {
        %dma_start3A = arith.constant 0 : i32
        %dma_start3A_204 = arith.constant 0 : i32
        %dma_start3A_205 = arith.constant 0 : i32
        %dma_start3A_206 = arith.constant 0 : i32
        %dma_start3A_207 = tpu.memref_slice %arg8[%dma_start3A, %dma_start3A_205, %dma_start3A_206] : memref<3x1x128xi32, #tpu.memory_space<vmem>> -> memref<1x1x128xi32, #tpu.memory_space<vmem>>
        %dma_start3A_208 = tpu.memref_squeeze %dma_start3A_207 : memref<1x1x128xi32, #tpu.memory_space<vmem>> -> memref<1x128xi32, #tpu.memory_space<vmem>>
        %dma_start3A_209 = arith.constant 0 : i32
        %dma_start3A_210 = arith.constant 0 : i32
        %dma_start3A_211 = tpu.memref_slice %arg3[%add3A_178, %dma_start3A_209, %dma_start3A_210] : memref<2500x1x128xi32, #tpu.memory_space<hbm>> -> memref<1x1x128xi32, #tpu.memory_space<hbm>>
        %dma_start3A_212 = tpu.memref_squeeze %dma_start3A_211 : memref<1x1x128xi32, #tpu.memory_space<hbm>> -> memref<1x128xi32, #tpu.memory_space<hbm>>
        %dma_start3A_213 = tpu.memref_slice %arg12[%dma_start3A_204] : memref<3x!tpu.dma_semaphore, #tpu.memory_space<semaphore_mem>> -> memref<1x!tpu.dma_semaphore, #tpu.memory_space<semaphore_mem>>
        %dma_start3A_214 = tpu.memref_squeeze %dma_start3A_213 : memref<1x!tpu.dma_semaphore, #tpu.memory_space<semaphore_mem>> -> memref<!tpu.dma_semaphore, #tpu.memory_space<semaphore_mem>>
        %dma_start3A_215 = arith.constant 0 : i32
        %dma_start3A_216 = arith.constant 0 : i32
        %dma_start3A_217 = tpu.memref_slice %arg8[%dma_start3A, %dma_start3A_215, %dma_start3A_216] : memref<3x1x128xi32, #tpu.memory_space<vmem>> -> memref<1x1x128xi32, #tpu.memory_space<vmem>>
        %dma_start3A_218 = tpu.memref_squeeze %dma_start3A_217 : memref<1x1x128xi32, #tpu.memory_space<vmem>> -> memref<1x128xi32, #tpu.memory_space<vmem>>
        %dma_start3A_219 = arith.constant 0 : i32
        %dma_start3A_220 = arith.constant 0 : i32
        %dma_start3A_221 = tpu.memref_slice %arg3[%add3A_178, %dma_start3A_219, %dma_start3A_220] : memref<2500x1x128xi32, #tpu.memory_space<hbm>> -> memref<1x1x128xi32, #tpu.memory_space<hbm>>
        %dma_start3A_222 = tpu.memref_squeeze %dma_start3A_221 : memref<1x1x128xi32, #tpu.memory_space<hbm>> -> memref<1x128xi32, #tpu.memory_space<hbm>>
        tpu.enqueue_dma source(%dma_start3A_222 : memref<1x128xi32, #tpu.memory_space<hbm>>) target(%dma_start3A_218 : memref<1x128xi32, #tpu.memory_space<vmem>>) target_semaphore(%dma_start3A_214 : memref<!tpu.dma_semaphore, #tpu.memory_space<semaphore_mem>>)
        %mul3A_223 = arith.constant 128 : i32
        %mul3A_224 = arith.muli %add3A_178, %mul3A_223 : i32
        %dma_start3A_225 = arith.constant 0 : i32
        %dma_start3A_226 = arith.constant 0 : i32
        %dma_start3A_227 = arith.constant 0 : i32
        %dma_start3A_228 = arith.constant 0 : i32
        %dma_start3A_229 = tpu.memref_slice %arg7[%dma_start3A_225, %dma_start3A_227, %dma_start3A_228] : memref<3x128x128xf32, #tpu.memory_space<vmem>> -> memref<1x128x128xf32, #tpu.memory_space<vmem>>
        %dma_start3A_230 = tpu.memref_squeeze %dma_start3A_229 : memref<1x128x128xf32, #tpu.memory_space<vmem>> -> memref<128x128xf32, #tpu.memory_space<vmem>>
        %dma_start3A_231 = arith.constant 0 : i32
        %dma_start3A_232 = tpu.memref_slice %arg2[%mul3A_224, %dma_start3A_231] : memref<320000x128xf32, #tpu.memory_space<hbm>> -> memref<128x128xf32, #tpu.memory_space<hbm>>
        %dma_start3A_233 = tpu.memref_slice %arg11[%dma_start3A_226] : memref<3x!tpu.dma_semaphore, #tpu.memory_space<semaphore_mem>> -> memref<1x!tpu.dma_semaphore, #tpu.memory_space<semaphore_mem>>
        %dma_start3A_234 = tpu.memref_squeeze %dma_start3A_233 : memref<1x!tpu.dma_semaphore, #tpu.memory_space<semaphore_mem>> -> memref<!tpu.dma_semaphore, #tpu.memory_space<semaphore_mem>>
        %dma_start3A_235 = arith.constant 0 : i32
        %dma_start3A_236 = arith.constant 0 : i32
        %dma_start3A_237 = tpu.memref_slice %arg7[%dma_start3A_225, %dma_start3A_235, %dma_start3A_236] : memref<3x128x128xf32, #tpu.memory_space<vmem>> -> memref<1x128x128xf32, #tpu.memory_space<vmem>>
        %dma_start3A_238 = tpu.memref_squeeze %dma_start3A_237 : memref<1x128x128xf32, #tpu.memory_space<vmem>> -> memref<128x128xf32, #tpu.memory_space<vmem>>
        %dma_start3A_239 = arith.constant 0 : i32
        %dma_start3A_240 = tpu.memref_slice %arg2[%mul3A_224, %dma_start3A_239] : memref<320000x128xf32, #tpu.memory_space<hbm>> -> memref<128x128xf32, #tpu.memory_space<hbm>>
        tpu.enqueue_dma source(%dma_start3A_240 : memref<128x128xf32, #tpu.memory_space<hbm>>) target(%dma_start3A_238 : memref<128x128xf32, #tpu.memory_space<vmem>>) target_semaphore(%dma_start3A_234 : memref<!tpu.dma_semaphore, #tpu.memory_space<semaphore_mem>>)
      } else {
      }
      %add3A_183 = arith.addi %add3A_90, %add3A_175 : i32
      %lt3A_184 = arith.cmpi slt, %add3A_183, %min3A : i32
      %convert_element_type3A_185 = arith.extui %lt3A_184 : i1 to i32
      %cond3A_186 = arith.constant 0 : i32
      %cond3A_187 = arith.cmpi ne, %convert_element_type3A_185, %cond3A_186 : i32
      scf.if %cond3A_187 {
        %dma_wait3A = arith.constant 1 : i32
        %dma_wait3A_204 = arith.constant 1 : i32
        %dma_wait3A_205 = arith.constant 0 : i32
        %dma_wait3A_206 = arith.constant 0 : i32
        %dma_wait3A_207 = tpu.memref_slice %arg8[%dma_wait3A, %dma_wait3A_205, %dma_wait3A_206] : memref<3x1x128xi32, #tpu.memory_space<vmem>> -> memref<1x1x128xi32, #tpu.memory_space<vmem>>
        %dma_wait3A_208 = tpu.memref_squeeze %dma_wait3A_207 : memref<1x1x128xi32, #tpu.memory_space<vmem>> -> memref<1x128xi32, #tpu.memory_space<vmem>>
        %dma_wait3A_209 = arith.constant 0 : i32
        %dma_wait3A_210 = arith.constant 0 : i32
        %dma_wait3A_211 = tpu.memref_slice %arg3[%add3A_183, %dma_wait3A_209, %dma_wait3A_210] : memref<2500x1x128xi32, #tpu.memory_space<hbm>> -> memref<1x1x128xi32, #tpu.memory_space<hbm>>
        %dma_wait3A_212 = tpu.memref_squeeze %dma_wait3A_211 : memref<1x1x128xi32, #tpu.memory_space<hbm>> -> memref<1x128xi32, #tpu.memory_space<hbm>>
        %dma_wait3A_213 = tpu.memref_slice %arg12[%dma_wait3A_204] : memref<3x!tpu.dma_semaphore, #tpu.memory_space<semaphore_mem>> -> memref<1x!tpu.dma_semaphore, #tpu.memory_space<semaphore_mem>>
        %dma_wait3A_214 = tpu.memref_squeeze %dma_wait3A_213 : memref<1x!tpu.dma_semaphore, #tpu.memory_space<semaphore_mem>> -> memref<!tpu.dma_semaphore, #tpu.memory_space<semaphore_mem>>
        %dma_wait3A_215 = arith.constant 0 : i32
        %dma_wait3A_216 = arith.constant 0 : i32
        %dma_wait3A_217 = tpu.memref_slice %arg8[%dma_wait3A, %dma_wait3A_215, %dma_wait3A_216] : memref<3x1x128xi32, #tpu.memory_space<vmem>> -> memref<1x1x128xi32, #tpu.memory_space<vmem>>
        %dma_wait3A_218 = tpu.memref_squeeze %dma_wait3A_217 : memref<1x1x128xi32, #tpu.memory_space<vmem>> -> memref<1x128xi32, #tpu.memory_space<vmem>>
        %dma_wait3A_219 = arith.constant 0 : i32
        %dma_wait3A_220 = arith.constant 0 : i32
        %dma_wait3A_221 = tpu.memref_slice %arg3[%add3A_183, %dma_wait3A_219, %dma_wait3A_220] : memref<2500x1x128xi32, #tpu.memory_space<hbm>> -> memref<1x1x128xi32, #tpu.memory_space<hbm>>
        %dma_wait3A_222 = tpu.memref_squeeze %dma_wait3A_221 : memref<1x1x128xi32, #tpu.memory_space<hbm>> -> memref<1x128xi32, #tpu.memory_space<hbm>>
        tpu.wait_dma2 semaphore(%dma_wait3A_214 : memref<!tpu.dma_semaphore, #tpu.memory_space<semaphore_mem>>) src(%dma_wait3A_222 : memref<1x128xi32, #tpu.memory_space<hbm>>) dst(%dma_wait3A_218 : memref<1x128xi32, #tpu.memory_space<vmem>>)
        %mul3A_223 = arith.constant 128 : i32
        %mul3A_224 = arith.muli %add3A_183, %mul3A_223 : i32
        %dma_wait3A_225 = arith.constant 1 : i32
        %dma_wait3A_226 = arith.constant 1 : i32
        %dma_wait3A_227 = arith.constant 0 : i32
        %dma_wait3A_228 = arith.constant 0 : i32
        %dma_wait3A_229 = tpu.memref_slice %arg7[%dma_wait3A_225, %dma_wait3A_227, %dma_wait3A_228] : memref<3x128x128xf32, #tpu.memory_space<vmem>> -> memref<1x128x128xf32, #tpu.memory_space<vmem>>
        %dma_wait3A_230 = tpu.memref_squeeze %dma_wait3A_229 : memref<1x128x128xf32, #tpu.memory_space<vmem>> -> memref<128x128xf32, #tpu.memory_space<vmem>>
        %dma_wait3A_231 = arith.constant 0 : i32
        %dma_wait3A_232 = tpu.memref_slice %arg2[%mul3A_224, %dma_wait3A_231] : memref<320000x128xf32, #tpu.memory_space<hbm>> -> memref<128x128xf32, #tpu.memory_space<hbm>>
        %dma_wait3A_233 = tpu.memref_slice %arg11[%dma_wait3A_226] : memref<3x!tpu.dma_semaphore, #tpu.memory_space<semaphore_mem>> -> memref<1x!tpu.dma_semaphore, #tpu.memory_space<semaphore_mem>>
        %dma_wait3A_234 = tpu.memref_squeeze %dma_wait3A_233 : memref<1x!tpu.dma_semaphore, #tpu.memory_space<semaphore_mem>> -> memref<!tpu.dma_semaphore, #tpu.memory_space<semaphore_mem>>
        %dma_wait3A_235 = arith.constant 0 : i32
        %dma_wait3A_236 = arith.constant 0 : i32
        %dma_wait3A_237 = tpu.memref_slice %arg7[%dma_wait3A_225, %dma_wait3A_235, %dma_wait3A_236] : memref<3x128x128xf32, #tpu.memory_space<vmem>> -> memref<1x128x128xf32, #tpu.memory_space<vmem>>
        %dma_wait3A_238 = tpu.memref_squeeze %dma_wait3A_237 : memref<1x128x128xf32, #tpu.memory_space<vmem>> -> memref<128x128xf32, #tpu.memory_space<vmem>>
        %dma_wait3A_239 = arith.constant 0 : i32
        %dma_wait3A_240 = tpu.memref_slice %arg2[%mul3A_224, %dma_wait3A_239] : memref<320000x128xf32, #tpu.memory_space<hbm>> -> memref<128x128xf32, #tpu.memory_space<hbm>>
        tpu.wait_dma2 semaphore(%dma_wait3A_234 : memref<!tpu.dma_semaphore, #tpu.memory_space<semaphore_mem>>) src(%dma_wait3A_240 : memref<128x128xf32, #tpu.memory_space<hbm>>) dst(%dma_wait3A_238 : memref<128x128xf32, #tpu.memory_space<vmem>>)
        %run_scoped3A = arith.constant 1 : i32
        %run_scoped3A_241 = arith.constant 1 : i32
        %run_scoped3A_242 = arith.constant 0 : i32
        "tpu.region"() ({
          %run_scoped3A_243 = tpu.sem_alloc : memref<!tpu.dma_semaphore, #tpu.memory_space<semaphore_mem>>
          %dma_start3A = arith.constant 0 : i32
          %dma_start3A_244 = arith.constant 0 : i32
          %dma_start3A_245 = tpu.memref_slice %arg7[%run_scoped3A, %dma_start3A, %dma_start3A_244] : memref<3x128x128xf32, #tpu.memory_space<vmem>> -> memref<1x128x128xf32, #tpu.memory_space<vmem>>
          %dma_start3A_246 = tpu.memref_squeeze %dma_start3A_245 : memref<1x128x128xf32, #tpu.memory_space<vmem>> -> memref<128x128xf32, #tpu.memory_space<vmem>>
          %dma_start3A_247 = arith.constant 0 : i32
          %dma_start3A_248 = tpu.memref_slice %arg8[%run_scoped3A_241, %run_scoped3A_242, %dma_start3A_247] : memref<3x1x128xi32, #tpu.memory_space<vmem>> -> memref<1x1x128xi32, #tpu.memory_space<vmem>>
          %dma_start3A_249 = tpu.memref_squeeze %dma_start3A_248 : memref<1x1x128xi32, #tpu.memory_space<vmem>> -> memref<128xi32, #tpu.memory_space<vmem>>
          %dma_start3A_250 = arith.constant 0 : i32
          %dma_start3A_251 = arith.constant 0 : i32
          %dma_start3A_252 = tpu.memref_slice %arg9[%dma_start3A_250, %dma_start3A_251] : memref<10008x128xf32, #tpu.memory_space<vmem_shared>> -> memref<10008x128xf32, #tpu.memory_space<vmem_shared>>
          tpu.enqueue_indirect_dma source(%dma_start3A_246 : memref<128x128xf32, #tpu.memory_space<vmem>>) target(%dma_start3A_252 : memref<10008x128xf32, #tpu.memory_space<vmem_shared>>) offsets(%dma_start3A_249 : memref<128xi32, #tpu.memory_space<vmem>>) semaphore(%run_scoped3A_243 : memref<!tpu.dma_semaphore, #tpu.memory_space<semaphore_mem>>) {add = true}
          %dma_wait3A_253 = arith.constant 0 : i32
          %dma_wait3A_254 = arith.constant 0 : i32
          %dma_wait3A_255 = tpu.memref_slice %arg7[%run_scoped3A, %dma_wait3A_253, %dma_wait3A_254] : memref<3x128x128xf32, #tpu.memory_space<vmem>> -> memref<1x128x128xf32, #tpu.memory_space<vmem>>
          %dma_wait3A_256 = tpu.memref_squeeze %dma_wait3A_255 : memref<1x128x128xf32, #tpu.memory_space<vmem>> -> memref<128x128xf32, #tpu.memory_space<vmem>>
          %dma_wait3A_257 = arith.constant 0 : i32
          %dma_wait3A_258 = tpu.memref_slice %arg8[%run_scoped3A_241, %run_scoped3A_242, %dma_wait3A_257] : memref<3x1x128xi32, #tpu.memory_space<vmem>> -> memref<1x1x128xi32, #tpu.memory_space<vmem>>
          %dma_wait3A_259 = tpu.memref_squeeze %dma_wait3A_258 : memref<1x1x128xi32, #tpu.memory_space<vmem>> -> memref<128xi32, #tpu.memory_space<vmem>>
          %dma_wait3A_260 = arith.constant 0 : i32
          %dma_wait3A_261 = arith.constant 0 : i32
          %dma_wait3A_262 = tpu.memref_slice %arg9[%dma_wait3A_260, %dma_wait3A_261] : memref<10008x128xf32, #tpu.memory_space<vmem_shared>> -> memref<10008x128xf32, #tpu.memory_space<vmem_shared>>
          tpu.wait_indirect_dma semaphore(%run_scoped3A_243 : memref<!tpu.dma_semaphore, #tpu.memory_space<semaphore_mem>>) src(%dma_wait3A_256 : memref<128x128xf32, #tpu.memory_space<vmem>>) dst(%dma_wait3A_262 : memref<10008x128xf32, #tpu.memory_space<vmem_shared>>)
          tpu.yield
        }) : () -> ()
      } else {
      }
      %mul3A_188 = arith.constant 3 : i32
      %mul3A_189 = arith.muli %while3A_155, %mul3A_188 : i32
      %add3A_190 = arith.constant 2 : i32
      %add3A_191 = arith.addi %mul3A_189, %add3A_190 : i32
      %add3A_192 = arith.constant 2 : i32
      %add3A_193 = arith.addi %add3A_191, %add3A_192 : i32
      %add3A_194 = arith.addi %add3A_90, %add3A_193 : i32
      %lt3A_195 = arith.cmpi slt, %add3A_194, %min3A : i32
      %convert_element_type3A_196 = arith.extui %lt3A_195 : i1 to i32
      %cond3A_197 = arith.constant 0 : i32
      %cond3A_198 = arith.cmpi ne, %convert_element_type3A_196, %cond3A_197 : i32
      scf.if %cond3A_198 {
        %dma_start3A = arith.constant 1 : i32
        %dma_start3A_204 = arith.constant 1 : i32
        %dma_start3A_205 = arith.constant 0 : i32
        %dma_start3A_206 = arith.constant 0 : i32
        %dma_start3A_207 = tpu.memref_slice %arg8[%dma_start3A, %dma_start3A_205, %dma_start3A_206] : memref<3x1x128xi32, #tpu.memory_space<vmem>> -> memref<1x1x128xi32, #tpu.memory_space<vmem>>
        %dma_start3A_208 = tpu.memref_squeeze %dma_start3A_207 : memref<1x1x128xi32, #tpu.memory_space<vmem>> -> memref<1x128xi32, #tpu.memory_space<vmem>>
        %dma_start3A_209 = arith.constant 0 : i32
        %dma_start3A_210 = arith.constant 0 : i32
        %dma_start3A_211 = tpu.memref_slice %arg3[%add3A_194, %dma_start3A_209, %dma_start3A_210] : memref<2500x1x128xi32, #tpu.memory_space<hbm>> -> memref<1x1x128xi32, #tpu.memory_space<hbm>>
        %dma_start3A_212 = tpu.memref_squeeze %dma_start3A_211 : memref<1x1x128xi32, #tpu.memory_space<hbm>> -> memref<1x128xi32, #tpu.memory_space<hbm>>
        %dma_start3A_213 = tpu.memref_slice %arg12[%dma_start3A_204] : memref<3x!tpu.dma_semaphore, #tpu.memory_space<semaphore_mem>> -> memref<1x!tpu.dma_semaphore, #tpu.memory_space<semaphore_mem>>
        %dma_start3A_214 = tpu.memref_squeeze %dma_start3A_213 : memref<1x!tpu.dma_semaphore, #tpu.memory_space<semaphore_mem>> -> memref<!tpu.dma_semaphore, #tpu.memory_space<semaphore_mem>>
        %dma_start3A_215 = arith.constant 0 : i32
        %dma_start3A_216 = arith.constant 0 : i32
        %dma_start3A_217 = tpu.memref_slice %arg8[%dma_start3A, %dma_start3A_215, %dma_start3A_216] : memref<3x1x128xi32, #tpu.memory_space<vmem>> -> memref<1x1x128xi32, #tpu.memory_space<vmem>>
        %dma_start3A_218 = tpu.memref_squeeze %dma_start3A_217 : memref<1x1x128xi32, #tpu.memory_space<vmem>> -> memref<1x128xi32, #tpu.memory_space<vmem>>
        %dma_start3A_219 = arith.constant 0 : i32
        %dma_start3A_220 = arith.constant 0 : i32
        %dma_start3A_221 = tpu.memref_slice %arg3[%add3A_194, %dma_start3A_219, %dma_start3A_220] : memref<2500x1x128xi32, #tpu.memory_space<hbm>> -> memref<1x1x128xi32, #tpu.memory_space<hbm>>
        %dma_start3A_222 = tpu.memref_squeeze %dma_start3A_221 : memref<1x1x128xi32, #tpu.memory_space<hbm>> -> memref<1x128xi32, #tpu.memory_space<hbm>>
        tpu.enqueue_dma source(%dma_start3A_222 : memref<1x128xi32, #tpu.memory_space<hbm>>) target(%dma_start3A_218 : memref<1x128xi32, #tpu.memory_space<vmem>>) target_semaphore(%dma_start3A_214 : memref<!tpu.dma_semaphore, #tpu.memory_space<semaphore_mem>>)
        %mul3A_223 = arith.constant 128 : i32
        %mul3A_224 = arith.muli %add3A_194, %mul3A_223 : i32
        %dma_start3A_225 = arith.constant 1 : i32
        %dma_start3A_226 = arith.constant 1 : i32
        %dma_start3A_227 = arith.constant 0 : i32
        %dma_start3A_228 = arith.constant 0 : i32
        %dma_start3A_229 = tpu.memref_slice %arg7[%dma_start3A_225, %dma_start3A_227, %dma_start3A_228] : memref<3x128x128xf32, #tpu.memory_space<vmem>> -> memref<1x128x128xf32, #tpu.memory_space<vmem>>
        %dma_start3A_230 = tpu.memref_squeeze %dma_start3A_229 : memref<1x128x128xf32, #tpu.memory_space<vmem>> -> memref<128x128xf32, #tpu.memory_space<vmem>>
        %dma_start3A_231 = arith.constant 0 : i32
        %dma_start3A_232 = tpu.memref_slice %arg2[%mul3A_224, %dma_start3A_231] : memref<320000x128xf32, #tpu.memory_space<hbm>> -> memref<128x128xf32, #tpu.memory_space<hbm>>
        %dma_start3A_233 = tpu.memref_slice %arg11[%dma_start3A_226] : memref<3x!tpu.dma_semaphore, #tpu.memory_space<semaphore_mem>> -> memref<1x!tpu.dma_semaphore, #tpu.memory_space<semaphore_mem>>
        %dma_start3A_234 = tpu.memref_squeeze %dma_start3A_233 : memref<1x!tpu.dma_semaphore, #tpu.memory_space<semaphore_mem>> -> memref<!tpu.dma_semaphore, #tpu.memory_space<semaphore_mem>>
        %dma_start3A_235 = arith.constant 0 : i32
        %dma_start3A_236 = arith.constant 0 : i32
        %dma_start3A_237 = tpu.memref_slice %arg7[%dma_start3A_225, %dma_start3A_235, %dma_start3A_236] : memref<3x128x128xf32, #tpu.memory_space<vmem>> -> memref<1x128x128xf32, #tpu.memory_space<vmem>>
        %dma_start3A_238 = tpu.memref_squeeze %dma_start3A_237 : memref<1x128x128xf32, #tpu.memory_space<vmem>> -> memref<128x128xf32, #tpu.memory_space<vmem>>
        %dma_start3A_239 = arith.constant 0 : i32
        %dma_start3A_240 = tpu.memref_slice %arg2[%mul3A_224, %dma_start3A_239] : memref<320000x128xf32, #tpu.memory_space<hbm>> -> memref<128x128xf32, #tpu.memory_space<hbm>>
        tpu.enqueue_dma source(%dma_start3A_240 : memref<128x128xf32, #tpu.memory_space<hbm>>) target(%dma_start3A_238 : memref<128x128xf32, #tpu.memory_space<vmem>>) target_semaphore(%dma_start3A_234 : memref<!tpu.dma_semaphore, #tpu.memory_space<semaphore_mem>>)
      } else {
      }
      %add3A_199 = arith.addi %add3A_90, %add3A_191 : i32
      %lt3A_200 = arith.cmpi slt, %add3A_199, %min3A : i32
      %convert_element_type3A_201 = arith.extui %lt3A_200 : i1 to i32
      %cond3A_202 = arith.constant 0 : i32
      %cond3A_203 = arith.cmpi ne, %convert_element_type3A_201, %cond3A_202 : i32
      scf.if %cond3A_203 {
        %dma_wait3A = arith.constant 2 : i32
        %dma_wait3A_204 = arith.constant 2 : i32
        %dma_wait3A_205 = arith.constant 0 : i32
        %dma_wait3A_206 = arith.constant 0 : i32
        %dma_wait3A_207 = tpu.memref_slice %arg8[%dma_wait3A, %dma_wait3A_205, %dma_wait3A_206] : memref<3x1x128xi32, #tpu.memory_space<vmem>> -> memref<1x1x128xi32, #tpu.memory_space<vmem>>
        %dma_wait3A_208 = tpu.memref_squeeze %dma_wait3A_207 : memref<1x1x128xi32, #tpu.memory_space<vmem>> -> memref<1x128xi32, #tpu.memory_space<vmem>>
        %dma_wait3A_209 = arith.constant 0 : i32
        %dma_wait3A_210 = arith.constant 0 : i32
        %dma_wait3A_211 = tpu.memref_slice %arg3[%add3A_199, %dma_wait3A_209, %dma_wait3A_210] : memref<2500x1x128xi32, #tpu.memory_space<hbm>> -> memref<1x1x128xi32, #tpu.memory_space<hbm>>
        %dma_wait3A_212 = tpu.memref_squeeze %dma_wait3A_211 : memref<1x1x128xi32, #tpu.memory_space<hbm>> -> memref<1x128xi32, #tpu.memory_space<hbm>>
        %dma_wait3A_213 = tpu.memref_slice %arg12[%dma_wait3A_204] : memref<3x!tpu.dma_semaphore, #tpu.memory_space<semaphore_mem>> -> memref<1x!tpu.dma_semaphore, #tpu.memory_space<semaphore_mem>>
        %dma_wait3A_214 = tpu.memref_squeeze %dma_wait3A_213 : memref<1x!tpu.dma_semaphore, #tpu.memory_space<semaphore_mem>> -> memref<!tpu.dma_semaphore, #tpu.memory_space<semaphore_mem>>
        %dma_wait3A_215 = arith.constant 0 : i32
        %dma_wait3A_216 = arith.constant 0 : i32
        %dma_wait3A_217 = tpu.memref_slice %arg8[%dma_wait3A, %dma_wait3A_215, %dma_wait3A_216] : memref<3x1x128xi32, #tpu.memory_space<vmem>> -> memref<1x1x128xi32, #tpu.memory_space<vmem>>
        %dma_wait3A_218 = tpu.memref_squeeze %dma_wait3A_217 : memref<1x1x128xi32, #tpu.memory_space<vmem>> -> memref<1x128xi32, #tpu.memory_space<vmem>>
        %dma_wait3A_219 = arith.constant 0 : i32
        %dma_wait3A_220 = arith.constant 0 : i32
        %dma_wait3A_221 = tpu.memref_slice %arg3[%add3A_199, %dma_wait3A_219, %dma_wait3A_220] : memref<2500x1x128xi32, #tpu.memory_space<hbm>> -> memref<1x1x128xi32, #tpu.memory_space<hbm>>
        %dma_wait3A_222 = tpu.memref_squeeze %dma_wait3A_221 : memref<1x1x128xi32, #tpu.memory_space<hbm>> -> memref<1x128xi32, #tpu.memory_space<hbm>>
        tpu.wait_dma2 semaphore(%dma_wait3A_214 : memref<!tpu.dma_semaphore, #tpu.memory_space<semaphore_mem>>) src(%dma_wait3A_222 : memref<1x128xi32, #tpu.memory_space<hbm>>) dst(%dma_wait3A_218 : memref<1x128xi32, #tpu.memory_space<vmem>>)
        %mul3A_223 = arith.constant 128 : i32
        %mul3A_224 = arith.muli %add3A_199, %mul3A_223 : i32
        %dma_wait3A_225 = arith.constant 2 : i32
        %dma_wait3A_226 = arith.constant 2 : i32
        %dma_wait3A_227 = arith.constant 0 : i32
        %dma_wait3A_228 = arith.constant 0 : i32
        %dma_wait3A_229 = tpu.memref_slice %arg7[%dma_wait3A_225, %dma_wait3A_227, %dma_wait3A_228] : memref<3x128x128xf32, #tpu.memory_space<vmem>> -> memref<1x128x128xf32, #tpu.memory_space<vmem>>
        %dma_wait3A_230 = tpu.memref_squeeze %dma_wait3A_229 : memref<1x128x128xf32, #tpu.memory_space<vmem>> -> memref<128x128xf32, #tpu.memory_space<vmem>>
        %dma_wait3A_231 = arith.constant 0 : i32
        %dma_wait3A_232 = tpu.memref_slice %arg2[%mul3A_224, %dma_wait3A_231] : memref<320000x128xf32, #tpu.memory_space<hbm>> -> memref<128x128xf32, #tpu.memory_space<hbm>>
        %dma_wait3A_233 = tpu.memref_slice %arg11[%dma_wait3A_226] : memref<3x!tpu.dma_semaphore, #tpu.memory_space<semaphore_mem>> -> memref<1x!tpu.dma_semaphore, #tpu.memory_space<semaphore_mem>>
        %dma_wait3A_234 = tpu.memref_squeeze %dma_wait3A_233 : memref<1x!tpu.dma_semaphore, #tpu.memory_space<semaphore_mem>> -> memref<!tpu.dma_semaphore, #tpu.memory_space<semaphore_mem>>
        %dma_wait3A_235 = arith.constant 0 : i32
        %dma_wait3A_236 = arith.constant 0 : i32
        %dma_wait3A_237 = tpu.memref_slice %arg7[%dma_wait3A_225, %dma_wait3A_235, %dma_wait3A_236] : memref<3x128x128xf32, #tpu.memory_space<vmem>> -> memref<1x128x128xf32, #tpu.memory_space<vmem>>
        %dma_wait3A_238 = tpu.memref_squeeze %dma_wait3A_237 : memref<1x128x128xf32, #tpu.memory_space<vmem>> -> memref<128x128xf32, #tpu.memory_space<vmem>>
        %dma_wait3A_239 = arith.constant 0 : i32
        %dma_wait3A_240 = tpu.memref_slice %arg2[%mul3A_224, %dma_wait3A_239] : memref<320000x128xf32, #tpu.memory_space<hbm>> -> memref<128x128xf32, #tpu.memory_space<hbm>>
        tpu.wait_dma2 semaphore(%dma_wait3A_234 : memref<!tpu.dma_semaphore, #tpu.memory_space<semaphore_mem>>) src(%dma_wait3A_240 : memref<128x128xf32, #tpu.memory_space<hbm>>) dst(%dma_wait3A_238 : memref<128x128xf32, #tpu.memory_space<vmem>>)
        %run_scoped3A = arith.constant 2 : i32
        %run_scoped3A_241 = arith.constant 2 : i32
        %run_scoped3A_242 = arith.constant 0 : i32
        "tpu.region"() ({
          %run_scoped3A_243 = tpu.sem_alloc : memref<!tpu.dma_semaphore, #tpu.memory_space<semaphore_mem>>
          %dma_start3A = arith.constant 0 : i32
          %dma_start3A_244 = arith.constant 0 : i32
          %dma_start3A_245 = tpu.memref_slice %arg7[%run_scoped3A, %dma_start3A, %dma_start3A_244] : memref<3x128x128xf32, #tpu.memory_space<vmem>> -> memref<1x128x128xf32, #tpu.memory_space<vmem>>
          %dma_start3A_246 = tpu.memref_squeeze %dma_start3A_245 : memref<1x128x128xf32, #tpu.memory_space<vmem>> -> memref<128x128xf32, #tpu.memory_space<vmem>>
          %dma_start3A_247 = arith.constant 0 : i32
          %dma_start3A_248 = tpu.memref_slice %arg8[%run_scoped3A_241, %run_scoped3A_242, %dma_start3A_247] : memref<3x1x128xi32, #tpu.memory_space<vmem>> -> memref<1x1x128xi32, #tpu.memory_space<vmem>>
          %dma_start3A_249 = tpu.memref_squeeze %dma_start3A_248 : memref<1x1x128xi32, #tpu.memory_space<vmem>> -> memref<128xi32, #tpu.memory_space<vmem>>
          %dma_start3A_250 = arith.constant 0 : i32
          %dma_start3A_251 = arith.constant 0 : i32
          %dma_start3A_252 = tpu.memref_slice %arg9[%dma_start3A_250, %dma_start3A_251] : memref<10008x128xf32, #tpu.memory_space<vmem_shared>> -> memref<10008x128xf32, #tpu.memory_space<vmem_shared>>
          tpu.enqueue_indirect_dma source(%dma_start3A_246 : memref<128x128xf32, #tpu.memory_space<vmem>>) target(%dma_start3A_252 : memref<10008x128xf32, #tpu.memory_space<vmem_shared>>) offsets(%dma_start3A_249 : memref<128xi32, #tpu.memory_space<vmem>>) semaphore(%run_scoped3A_243 : memref<!tpu.dma_semaphore, #tpu.memory_space<semaphore_mem>>) {add = true}
          %dma_wait3A_253 = arith.constant 0 : i32
          %dma_wait3A_254 = arith.constant 0 : i32
          %dma_wait3A_255 = tpu.memref_slice %arg7[%run_scoped3A, %dma_wait3A_253, %dma_wait3A_254] : memref<3x128x128xf32, #tpu.memory_space<vmem>> -> memref<1x128x128xf32, #tpu.memory_space<vmem>>
          %dma_wait3A_256 = tpu.memref_squeeze %dma_wait3A_255 : memref<1x128x128xf32, #tpu.memory_space<vmem>> -> memref<128x128xf32, #tpu.memory_space<vmem>>
          %dma_wait3A_257 = arith.constant 0 : i32
          %dma_wait3A_258 = tpu.memref_slice %arg8[%run_scoped3A_241, %run_scoped3A_242, %dma_wait3A_257] : memref<3x1x128xi32, #tpu.memory_space<vmem>> -> memref<1x1x128xi32, #tpu.memory_space<vmem>>
          %dma_wait3A_259 = tpu.memref_squeeze %dma_wait3A_258 : memref<1x1x128xi32, #tpu.memory_space<vmem>> -> memref<128xi32, #tpu.memory_space<vmem>>
          %dma_wait3A_260 = arith.constant 0 : i32
          %dma_wait3A_261 = arith.constant 0 : i32
          %dma_wait3A_262 = tpu.memref_slice %arg9[%dma_wait3A_260, %dma_wait3A_261] : memref<10008x128xf32, #tpu.memory_space<vmem_shared>> -> memref<10008x128xf32, #tpu.memory_space<vmem_shared>>
          tpu.wait_indirect_dma semaphore(%run_scoped3A_243 : memref<!tpu.dma_semaphore, #tpu.memory_space<semaphore_mem>>) src(%dma_wait3A_256 : memref<128x128xf32, #tpu.memory_space<vmem>>) dst(%dma_wait3A_262 : memref<10008x128xf32, #tpu.memory_space<vmem_shared>>)
          tpu.yield
        }) : () -> ()
      } else {
      }
    }
    %while3A_143 = arith.constant 1 : i32
    scf.for %while3A_155 = %while3A_141 to %while3A_137 step %while3A_143  : i32 {
      %mul3A_156 = arith.constant 3 : i32
      %mul3A_157 = arith.muli %while3A_155, %mul3A_156 : i32
      %add3A_158 = arith.constant 0 : i32
      %add3A_159 = arith.addi %mul3A_157, %add3A_158 : i32
      %add3A_160 = arith.constant 2 : i32
      %add3A_161 = arith.addi %add3A_159, %add3A_160 : i32
      %add3A_162 = arith.addi %add3A_90, %add3A_161 : i32
      %lt3A_163 = arith.cmpi slt, %add3A_162, %min3A : i32
      %convert_element_type3A_164 = arith.extui %lt3A_163 : i1 to i32
      %cond3A_165 = arith.constant 0 : i32
      %cond3A_166 = arith.cmpi ne, %convert_element_type3A_164, %cond3A_165 : i32
      scf.if %cond3A_166 {
        %dma_start3A = arith.constant 2 : i32
        %dma_start3A_204 = arith.constant 2 : i32
        %dma_start3A_205 = arith.constant 0 : i32
        %dma_start3A_206 = arith.constant 0 : i32
        %dma_start3A_207 = tpu.memref_slice %arg8[%dma_start3A, %dma_start3A_205, %dma_start3A_206] : memref<3x1x128xi32, #tpu.memory_space<vmem>> -> memref<1x1x128xi32, #tpu.memory_space<vmem>>
        %dma_start3A_208 = tpu.memref_squeeze %dma_start3A_207 : memref<1x1x128xi32, #tpu.memory_space<vmem>> -> memref<1x128xi32, #tpu.memory_space<vmem>>
        %dma_start3A_209 = arith.constant 0 : i32
        %dma_start3A_210 = arith.constant 0 : i32
        %dma_start3A_211 = tpu.memref_slice %arg3[%add3A_162, %dma_start3A_209, %dma_start3A_210] : memref<2500x1x128xi32, #tpu.memory_space<hbm>> -> memref<1x1x128xi32, #tpu.memory_space<hbm>>
        %dma_start3A_212 = tpu.memref_squeeze %dma_start3A_211 : memref<1x1x128xi32, #tpu.memory_space<hbm>> -> memref<1x128xi32, #tpu.memory_space<hbm>>
        %dma_start3A_213 = tpu.memref_slice %arg12[%dma_start3A_204] : memref<3x!tpu.dma_semaphore, #tpu.memory_space<semaphore_mem>> -> memref<1x!tpu.dma_semaphore, #tpu.memory_space<semaphore_mem>>
        %dma_start3A_214 = tpu.memref_squeeze %dma_start3A_213 : memref<1x!tpu.dma_semaphore, #tpu.memory_space<semaphore_mem>> -> memref<!tpu.dma_semaphore, #tpu.memory_space<semaphore_mem>>
        %dma_start3A_215 = arith.constant 0 : i32
        %dma_start3A_216 = arith.constant 0 : i32
        %dma_start3A_217 = tpu.memref_slice %arg8[%dma_start3A, %dma_start3A_215, %dma_start3A_216] : memref<3x1x128xi32, #tpu.memory_space<vmem>> -> memref<1x1x128xi32, #tpu.memory_space<vmem>>
        %dma_start3A_218 = tpu.memref_squeeze %dma_start3A_217 : memref<1x1x128xi32, #tpu.memory_space<vmem>> -> memref<1x128xi32, #tpu.memory_space<vmem>>
        %dma_start3A_219 = arith.constant 0 : i32
        %dma_start3A_220 = arith.constant 0 : i32
        %dma_start3A_221 = tpu.memref_slice %arg3[%add3A_162, %dma_start3A_219, %dma_start3A_220] : memref<2500x1x128xi32, #tpu.memory_space<hbm>> -> memref<1x1x128xi32, #tpu.memory_space<hbm>>
        %dma_start3A_222 = tpu.memref_squeeze %dma_start3A_221 : memref<1x1x128xi32, #tpu.memory_space<hbm>> -> memref<1x128xi32, #tpu.memory_space<hbm>>
        tpu.enqueue_dma source(%dma_start3A_222 : memref<1x128xi32, #tpu.memory_space<hbm>>) target(%dma_start3A_218 : memref<1x128xi32, #tpu.memory_space<vmem>>) target_semaphore(%dma_start3A_214 : memref<!tpu.dma_semaphore, #tpu.memory_space<semaphore_mem>>)
        %mul3A_223 = arith.constant 128 : i32
        %mul3A_224 = arith.muli %add3A_162, %mul3A_223 : i32
        %dma_start3A_225 = arith.constant 2 : i32
        %dma_start3A_226 = arith.constant 2 : i32
        %dma_start3A_227 = arith.constant 0 : i32
        %dma_start3A_228 = arith.constant 0 : i32
        %dma_start3A_229 = tpu.memref_slice %arg7[%dma_start3A_225, %dma_start3A_227, %dma_start3A_228] : memref<3x128x128xf32, #tpu.memory_space<vmem>> -> memref<1x128x128xf32, #tpu.memory_space<vmem>>
        %dma_start3A_230 = tpu.memref_squeeze %dma_start3A_229 : memref<1x128x128xf32, #tpu.memory_space<vmem>> -> memref<128x128xf32, #tpu.memory_space<vmem>>
        %dma_start3A_231 = arith.constant 0 : i32
        %dma_start3A_232 = tpu.memref_slice %arg2[%mul3A_224, %dma_start3A_231] : memref<320000x128xf32, #tpu.memory_space<hbm>> -> memref<128x128xf32, #tpu.memory_space<hbm>>
        %dma_start3A_233 = tpu.memref_slice %arg11[%dma_start3A_226] : memref<3x!tpu.dma_semaphore, #tpu.memory_space<semaphore_mem>> -> memref<1x!tpu.dma_semaphore, #tpu.memory_space<semaphore_mem>>
        %dma_start3A_234 = tpu.memref_squeeze %dma_start3A_233 : memref<1x!tpu.dma_semaphore, #tpu.memory_space<semaphore_mem>> -> memref<!tpu.dma_semaphore, #tpu.memory_space<semaphore_mem>>
        %dma_start3A_235 = arith.constant 0 : i32
        %dma_start3A_236 = arith.constant 0 : i32
        %dma_start3A_237 = tpu.memref_slice %arg7[%dma_start3A_225, %dma_start3A_235, %dma_start3A_236] : memref<3x128x128xf32, #tpu.memory_space<vmem>> -> memref<1x128x128xf32, #tpu.memory_space<vmem>>
        %dma_start3A_238 = tpu.memref_squeeze %dma_start3A_237 : memref<1x128x128xf32, #tpu.memory_space<vmem>> -> memref<128x128xf32, #tpu.memory_space<vmem>>
        %dma_start3A_239 = arith.constant 0 : i32
        %dma_start3A_240 = tpu.memref_slice %arg2[%mul3A_224, %dma_start3A_239] : memref<320000x128xf32, #tpu.memory_space<hbm>> -> memref<128x128xf32, #tpu.memory_space<hbm>>
        tpu.enqueue_dma source(%dma_start3A_240 : memref<128x128xf32, #tpu.memory_space<hbm>>) target(%dma_start3A_238 : memref<128x128xf32, #tpu.memory_space<vmem>>) target_semaphore(%dma_start3A_234 : memref<!tpu.dma_semaphore, #tpu.memory_space<semaphore_mem>>)
      } else {
      }
      %add3A_167 = arith.addi %add3A_90, %add3A_159 : i32
      %lt3A_168 = arith.cmpi slt, %add3A_167, %min3A : i32
      %convert_element_type3A_169 = arith.extui %lt3A_168 : i1 to i32
      %cond3A_170 = arith.constant 0 : i32
      %cond3A_171 = arith.cmpi ne, %convert_element_type3A_169, %cond3A_170 : i32
      scf.if %cond3A_171 {
        %dma_wait3A = arith.constant 0 : i32
        %dma_wait3A_204 = arith.constant 0 : i32
        %dma_wait3A_205 = arith.constant 0 : i32
        %dma_wait3A_206 = arith.constant 0 : i32
        %dma_wait3A_207 = tpu.memref_slice %arg8[%dma_wait3A, %dma_wait3A_205, %dma_wait3A_206] : memref<3x1x128xi32, #tpu.memory_space<vmem>> -> memref<1x1x128xi32, #tpu.memory_space<vmem>>
        %dma_wait3A_208 = tpu.memref_squeeze %dma_wait3A_207 : memref<1x1x128xi32, #tpu.memory_space<vmem>> -> memref<1x128xi32, #tpu.memory_space<vmem>>
        %dma_wait3A_209 = arith.constant 0 : i32
        %dma_wait3A_210 = arith.constant 0 : i32
        %dma_wait3A_211 = tpu.memref_slice %arg3[%add3A_167, %dma_wait3A_209, %dma_wait3A_210] : memref<2500x1x128xi32, #tpu.memory_space<hbm>> -> memref<1x1x128xi32, #tpu.memory_space<hbm>>
        %dma_wait3A_212 = tpu.memref_squeeze %dma_wait3A_211 : memref<1x1x128xi32, #tpu.memory_space<hbm>> -> memref<1x128xi32, #tpu.memory_space<hbm>>
        %dma_wait3A_213 = tpu.memref_slice %arg12[%dma_wait3A_204] : memref<3x!tpu.dma_semaphore, #tpu.memory_space<semaphore_mem>> -> memref<1x!tpu.dma_semaphore, #tpu.memory_space<semaphore_mem>>
        %dma_wait3A_214 = tpu.memref_squeeze %dma_wait3A_213 : memref<1x!tpu.dma_semaphore, #tpu.memory_space<semaphore_mem>> -> memref<!tpu.dma_semaphore, #tpu.memory_space<semaphore_mem>>
        %dma_wait3A_215 = arith.constant 0 : i32
        %dma_wait3A_216 = arith.constant 0 : i32
        %dma_wait3A_217 = tpu.memref_slice %arg8[%dma_wait3A, %dma_wait3A_215, %dma_wait3A_216] : memref<3x1x128xi32, #tpu.memory_space<vmem>> -> memref<1x1x128xi32, #tpu.memory_space<vmem>>
        %dma_wait3A_218 = tpu.memref_squeeze %dma_wait3A_217 : memref<1x1x128xi32, #tpu.memory_space<vmem>> -> memref<1x128xi32, #tpu.memory_space<vmem>>
        %dma_wait3A_219 = arith.constant 0 : i32
        %dma_wait3A_220 = arith.constant 0 : i32
        %dma_wait3A_221 = tpu.memref_slice %arg3[%add3A_167, %dma_wait3A_219, %dma_wait3A_220] : memref<2500x1x128xi32, #tpu.memory_space<hbm>> -> memref<1x1x128xi32, #tpu.memory_space<hbm>>
        %dma_wait3A_222 = tpu.memref_squeeze %dma_wait3A_221 : memref<1x1x128xi32, #tpu.memory_space<hbm>> -> memref<1x128xi32, #tpu.memory_space<hbm>>
        tpu.wait_dma2 semaphore(%dma_wait3A_214 : memref<!tpu.dma_semaphore, #tpu.memory_space<semaphore_mem>>) src(%dma_wait3A_222 : memref<1x128xi32, #tpu.memory_space<hbm>>) dst(%dma_wait3A_218 : memref<1x128xi32, #tpu.memory_space<vmem>>)
        %mul3A_223 = arith.constant 128 : i32
        %mul3A_224 = arith.muli %add3A_167, %mul3A_223 : i32
        %dma_wait3A_225 = arith.constant 0 : i32
        %dma_wait3A_226 = arith.constant 0 : i32
        %dma_wait3A_227 = arith.constant 0 : i32
        %dma_wait3A_228 = arith.constant 0 : i32
        %dma_wait3A_229 = tpu.memref_slice %arg7[%dma_wait3A_225, %dma_wait3A_227, %dma_wait3A_228] : memref<3x128x128xf32, #tpu.memory_space<vmem>> -> memref<1x128x128xf32, #tpu.memory_space<vmem>>
        %dma_wait3A_230 = tpu.memref_squeeze %dma_wait3A_229 : memref<1x128x128xf32, #tpu.memory_space<vmem>> -> memref<128x128xf32, #tpu.memory_space<vmem>>
        %dma_wait3A_231 = arith.constant 0 : i32
        %dma_wait3A_232 = tpu.memref_slice %arg2[%mul3A_224, %dma_wait3A_231] : memref<320000x128xf32, #tpu.memory_space<hbm>> -> memref<128x128xf32, #tpu.memory_space<hbm>>
        %dma_wait3A_233 = tpu.memref_slice %arg11[%dma_wait3A_226] : memref<3x!tpu.dma_semaphore, #tpu.memory_space<semaphore_mem>> -> memref<1x!tpu.dma_semaphore, #tpu.memory_space<semaphore_mem>>
        %dma_wait3A_234 = tpu.memref_squeeze %dma_wait3A_233 : memref<1x!tpu.dma_semaphore, #tpu.memory_space<semaphore_mem>> -> memref<!tpu.dma_semaphore, #tpu.memory_space<semaphore_mem>>
        %dma_wait3A_235 = arith.constant 0 : i32
        %dma_wait3A_236 = arith.constant 0 : i32
        %dma_wait3A_237 = tpu.memref_slice %arg7[%dma_wait3A_225, %dma_wait3A_235, %dma_wait3A_236] : memref<3x128x128xf32, #tpu.memory_space<vmem>> -> memref<1x128x128xf32, #tpu.memory_space<vmem>>
        %dma_wait3A_238 = tpu.memref_squeeze %dma_wait3A_237 : memref<1x128x128xf32, #tpu.memory_space<vmem>> -> memref<128x128xf32, #tpu.memory_space<vmem>>
        %dma_wait3A_239 = arith.constant 0 : i32
        %dma_wait3A_240 = tpu.memref_slice %arg2[%mul3A_224, %dma_wait3A_239] : memref<320000x128xf32, #tpu.memory_space<hbm>> -> memref<128x128xf32, #tpu.memory_space<hbm>>
        tpu.wait_dma2 semaphore(%dma_wait3A_234 : memref<!tpu.dma_semaphore, #tpu.memory_space<semaphore_mem>>) src(%dma_wait3A_240 : memref<128x128xf32, #tpu.memory_space<hbm>>) dst(%dma_wait3A_238 : memref<128x128xf32, #tpu.memory_space<vmem>>)
        %run_scoped3A = arith.constant 0 : i32
        %run_scoped3A_241 = arith.constant 0 : i32
        %run_scoped3A_242 = arith.constant 0 : i32
        "tpu.region"() ({
          %run_scoped3A_243 = tpu.sem_alloc : memref<!tpu.dma_semaphore, #tpu.memory_space<semaphore_mem>>
          %dma_start3A = arith.constant 0 : i32
          %dma_start3A_244 = arith.constant 0 : i32
          %dma_start3A_245 = tpu.memref_slice %arg7[%run_scoped3A, %dma_start3A, %dma_start3A_244] : memref<3x128x128xf32, #tpu.memory_space<vmem>> -> memref<1x128x128xf32, #tpu.memory_space<vmem>>
          %dma_start3A_246 = tpu.memref_squeeze %dma_start3A_245 : memref<1x128x128xf32, #tpu.memory_space<vmem>> -> memref<128x128xf32, #tpu.memory_space<vmem>>
          %dma_start3A_247 = arith.constant 0 : i32
          %dma_start3A_248 = tpu.memref_slice %arg8[%run_scoped3A_241, %run_scoped3A_242, %dma_start3A_247] : memref<3x1x128xi32, #tpu.memory_space<vmem>> -> memref<1x1x128xi32, #tpu.memory_space<vmem>>
          %dma_start3A_249 = tpu.memref_squeeze %dma_start3A_248 : memref<1x1x128xi32, #tpu.memory_space<vmem>> -> memref<128xi32, #tpu.memory_space<vmem>>
          %dma_start3A_250 = arith.constant 0 : i32
          %dma_start3A_251 = arith.constant 0 : i32
          %dma_start3A_252 = tpu.memref_slice %arg9[%dma_start3A_250, %dma_start3A_251] : memref<10008x128xf32, #tpu.memory_space<vmem_shared>> -> memref<10008x128xf32, #tpu.memory_space<vmem_shared>>
          tpu.enqueue_indirect_dma source(%dma_start3A_246 : memref<128x128xf32, #tpu.memory_space<vmem>>) target(%dma_start3A_252 : memref<10008x128xf32, #tpu.memory_space<vmem_shared>>) offsets(%dma_start3A_249 : memref<128xi32, #tpu.memory_space<vmem>>) semaphore(%run_scoped3A_243 : memref<!tpu.dma_semaphore, #tpu.memory_space<semaphore_mem>>) {add = true}
          %dma_wait3A_253 = arith.constant 0 : i32
          %dma_wait3A_254 = arith.constant 0 : i32
          %dma_wait3A_255 = tpu.memref_slice %arg7[%run_scoped3A, %dma_wait3A_253, %dma_wait3A_254] : memref<3x128x128xf32, #tpu.memory_space<vmem>> -> memref<1x128x128xf32, #tpu.memory_space<vmem>>
          %dma_wait3A_256 = tpu.memref_squeeze %dma_wait3A_255 : memref<1x128x128xf32, #tpu.memory_space<vmem>> -> memref<128x128xf32, #tpu.memory_space<vmem>>
          %dma_wait3A_257 = arith.constant 0 : i32
          %dma_wait3A_258 = tpu.memref_slice %arg8[%run_scoped3A_241, %run_scoped3A_242, %dma_wait3A_257] : memref<3x1x128xi32, #tpu.memory_space<vmem>> -> memref<1x1x128xi32, #tpu.memory_space<vmem>>
          %dma_wait3A_259 = tpu.memref_squeeze %dma_wait3A_258 : memref<1x1x128xi32, #tpu.memory_space<vmem>> -> memref<128xi32, #tpu.memory_space<vmem>>
          %dma_wait3A_260 = arith.constant 0 : i32
          %dma_wait3A_261 = arith.constant 0 : i32
          %dma_wait3A_262 = tpu.memref_slice %arg9[%dma_wait3A_260, %dma_wait3A_261] : memref<10008x128xf32, #tpu.memory_space<vmem_shared>> -> memref<10008x128xf32, #tpu.memory_space<vmem_shared>>
          tpu.wait_indirect_dma semaphore(%run_scoped3A_243 : memref<!tpu.dma_semaphore, #tpu.memory_space<semaphore_mem>>) src(%dma_wait3A_256 : memref<128x128xf32, #tpu.memory_space<vmem>>) dst(%dma_wait3A_262 : memref<10008x128xf32, #tpu.memory_space<vmem_shared>>)
          tpu.yield
        }) : () -> ()
      } else {
      }
      %mul3A_172 = arith.constant 3 : i32
      %mul3A_173 = arith.muli %while3A_155, %mul3A_172 : i32
      %add3A_174 = arith.constant 1 : i32
      %add3A_175 = arith.addi %mul3A_173, %add3A_174 : i32
      %add3A_176 = arith.constant 2 : i32
      %add3A_177 = arith.addi %add3A_175, %add3A_176 : i32
      %add3A_178 = arith.addi %add3A_90, %add3A_177 : i32
      %lt3A_179 = arith.cmpi slt, %add3A_178, %min3A : i32
      %convert_element_type3A_180 = arith.extui %lt3A_179 : i1 to i32
      %cond3A_181 = arith.constant 0 : i32
      %cond3A_182 = arith.cmpi ne, %convert_element_type3A_180, %cond3A_181 : i32
      scf.if %cond3A_182 {
        %dma_start3A = arith.constant 0 : i32
        %dma_start3A_204 = arith.constant 0 : i32
        %dma_start3A_205 = arith.constant 0 : i32
        %dma_start3A_206 = arith.constant 0 : i32
        %dma_start3A_207 = tpu.memref_slice %arg8[%dma_start3A, %dma_start3A_205, %dma_start3A_206] : memref<3x1x128xi32, #tpu.memory_space<vmem>> -> memref<1x1x128xi32, #tpu.memory_space<vmem>>
        %dma_start3A_208 = tpu.memref_squeeze %dma_start3A_207 : memref<1x1x128xi32, #tpu.memory_space<vmem>> -> memref<1x128xi32, #tpu.memory_space<vmem>>
        %dma_start3A_209 = arith.constant 0 : i32
        %dma_start3A_210 = arith.constant 0 : i32
        %dma_start3A_211 = tpu.memref_slice %arg3[%add3A_178, %dma_start3A_209, %dma_start3A_210] : memref<2500x1x128xi32, #tpu.memory_space<hbm>> -> memref<1x1x128xi32, #tpu.memory_space<hbm>>
        %dma_start3A_212 = tpu.memref_squeeze %dma_start3A_211 : memref<1x1x128xi32, #tpu.memory_space<hbm>> -> memref<1x128xi32, #tpu.memory_space<hbm>>
        %dma_start3A_213 = tpu.memref_slice %arg12[%dma_start3A_204] : memref<3x!tpu.dma_semaphore, #tpu.memory_space<semaphore_mem>> -> memref<1x!tpu.dma_semaphore, #tpu.memory_space<semaphore_mem>>
        %dma_start3A_214 = tpu.memref_squeeze %dma_start3A_213 : memref<1x!tpu.dma_semaphore, #tpu.memory_space<semaphore_mem>> -> memref<!tpu.dma_semaphore, #tpu.memory_space<semaphore_mem>>
        %dma_start3A_215 = arith.constant 0 : i32
        %dma_start3A_216 = arith.constant 0 : i32
        %dma_start3A_217 = tpu.memref_slice %arg8[%dma_start3A, %dma_start3A_215, %dma_start3A_216] : memref<3x1x128xi32, #tpu.memory_space<vmem>> -> memref<1x1x128xi32, #tpu.memory_space<vmem>>
        %dma_start3A_218 = tpu.memref_squeeze %dma_start3A_217 : memref<1x1x128xi32, #tpu.memory_space<vmem>> -> memref<1x128xi32, #tpu.memory_space<vmem>>
        %dma_start3A_219 = arith.constant 0 : i32
        %dma_start3A_220 = arith.constant 0 : i32
        %dma_start3A_221 = tpu.memref_slice %arg3[%add3A_178, %dma_start3A_219, %dma_start3A_220] : memref<2500x1x128xi32, #tpu.memory_space<hbm>> -> memref<1x1x128xi32, #tpu.memory_space<hbm>>
        %dma_start3A_222 = tpu.memref_squeeze %dma_start3A_221 : memref<1x1x128xi32, #tpu.memory_space<hbm>> -> memref<1x128xi32, #tpu.memory_space<hbm>>
        tpu.enqueue_dma source(%dma_start3A_222 : memref<1x128xi32, #tpu.memory_space<hbm>>) target(%dma_start3A_218 : memref<1x128xi32, #tpu.memory_space<vmem>>) target_semaphore(%dma_start3A_214 : memref<!tpu.dma_semaphore, #tpu.memory_space<semaphore_mem>>)
        %mul3A_223 = arith.constant 128 : i32
        %mul3A_224 = arith.muli %add3A_178, %mul3A_223 : i32
        %dma_start3A_225 = arith.constant 0 : i32
        %dma_start3A_226 = arith.constant 0 : i32
        %dma_start3A_227 = arith.constant 0 : i32
        %dma_start3A_228 = arith.constant 0 : i32
        %dma_start3A_229 = tpu.memref_slice %arg7[%dma_start3A_225, %dma_start3A_227, %dma_start3A_228] : memref<3x128x128xf32, #tpu.memory_space<vmem>> -> memref<1x128x128xf32, #tpu.memory_space<vmem>>
        %dma_start3A_230 = tpu.memref_squeeze %dma_start3A_229 : memref<1x128x128xf32, #tpu.memory_space<vmem>> -> memref<128x128xf32, #tpu.memory_space<vmem>>
        %dma_start3A_231 = arith.constant 0 : i32
        %dma_start3A_232 = tpu.memref_slice %arg2[%mul3A_224, %dma_start3A_231] : memref<320000x128xf32, #tpu.memory_space<hbm>> -> memref<128x128xf32, #tpu.memory_space<hbm>>
        %dma_start3A_233 = tpu.memref_slice %arg11[%dma_start3A_226] : memref<3x!tpu.dma_semaphore, #tpu.memory_space<semaphore_mem>> -> memref<1x!tpu.dma_semaphore, #tpu.memory_space<semaphore_mem>>
        %dma_start3A_234 = tpu.memref_squeeze %dma_start3A_233 : memref<1x!tpu.dma_semaphore, #tpu.memory_space<semaphore_mem>> -> memref<!tpu.dma_semaphore, #tpu.memory_space<semaphore_mem>>
        %dma_start3A_235 = arith.constant 0 : i32
        %dma_start3A_236 = arith.constant 0 : i32
        %dma_start3A_237 = tpu.memref_slice %arg7[%dma_start3A_225, %dma_start3A_235, %dma_start3A_236] : memref<3x128x128xf32, #tpu.memory_space<vmem>> -> memref<1x128x128xf32, #tpu.memory_space<vmem>>
        %dma_start3A_238 = tpu.memref_squeeze %dma_start3A_237 : memref<1x128x128xf32, #tpu.memory_space<vmem>> -> memref<128x128xf32, #tpu.memory_space<vmem>>
        %dma_start3A_239 = arith.constant 0 : i32
        %dma_start3A_240 = tpu.memref_slice %arg2[%mul3A_224, %dma_start3A_239] : memref<320000x128xf32, #tpu.memory_space<hbm>> -> memref<128x128xf32, #tpu.memory_space<hbm>>
        tpu.enqueue_dma source(%dma_start3A_240 : memref<128x128xf32, #tpu.memory_space<hbm>>) target(%dma_start3A_238 : memref<128x128xf32, #tpu.memory_space<vmem>>) target_semaphore(%dma_start3A_234 : memref<!tpu.dma_semaphore, #tpu.memory_space<semaphore_mem>>)
      } else {
      }
      %add3A_183 = arith.addi %add3A_90, %add3A_175 : i32
      %lt3A_184 = arith.cmpi slt, %add3A_183, %min3A : i32
      %convert_element_type3A_185 = arith.extui %lt3A_184 : i1 to i32
      %cond3A_186 = arith.constant 0 : i32
      %cond3A_187 = arith.cmpi ne, %convert_element_type3A_185, %cond3A_186 : i32
      scf.if %cond3A_187 {
        %dma_wait3A = arith.constant 1 : i32
        %dma_wait3A_204 = arith.constant 1 : i32
        %dma_wait3A_205 = arith.constant 0 : i32
        %dma_wait3A_206 = arith.constant 0 : i32
        %dma_wait3A_207 = tpu.memref_slice %arg8[%dma_wait3A, %dma_wait3A_205, %dma_wait3A_206] : memref<3x1x128xi32, #tpu.memory_space<vmem>> -> memref<1x1x128xi32, #tpu.memory_space<vmem>>
        %dma_wait3A_208 = tpu.memref_squeeze %dma_wait3A_207 : memref<1x1x128xi32, #tpu.memory_space<vmem>> -> memref<1x128xi32, #tpu.memory_space<vmem>>
        %dma_wait3A_209 = arith.constant 0 : i32
        %dma_wait3A_210 = arith.constant 0 : i32
        %dma_wait3A_211 = tpu.memref_slice %arg3[%add3A_183, %dma_wait3A_209, %dma_wait3A_210] : memref<2500x1x128xi32, #tpu.memory_space<hbm>> -> memref<1x1x128xi32, #tpu.memory_space<hbm>>
        %dma_wait3A_212 = tpu.memref_squeeze %dma_wait3A_211 : memref<1x1x128xi32, #tpu.memory_space<hbm>> -> memref<1x128xi32, #tpu.memory_space<hbm>>
        %dma_wait3A_213 = tpu.memref_slice %arg12[%dma_wait3A_204] : memref<3x!tpu.dma_semaphore, #tpu.memory_space<semaphore_mem>> -> memref<1x!tpu.dma_semaphore, #tpu.memory_space<semaphore_mem>>
        %dma_wait3A_214 = tpu.memref_squeeze %dma_wait3A_213 : memref<1x!tpu.dma_semaphore, #tpu.memory_space<semaphore_mem>> -> memref<!tpu.dma_semaphore, #tpu.memory_space<semaphore_mem>>
        %dma_wait3A_215 = arith.constant 0 : i32
        %dma_wait3A_216 = arith.constant 0 : i32
        %dma_wait3A_217 = tpu.memref_slice %arg8[%dma_wait3A, %dma_wait3A_215, %dma_wait3A_216] : memref<3x1x128xi32, #tpu.memory_space<vmem>> -> memref<1x1x128xi32, #tpu.memory_space<vmem>>
        %dma_wait3A_218 = tpu.memref_squeeze %dma_wait3A_217 : memref<1x1x128xi32, #tpu.memory_space<vmem>> -> memref<1x128xi32, #tpu.memory_space<vmem>>
        %dma_wait3A_219 = arith.constant 0 : i32
        %dma_wait3A_220 = arith.constant 0 : i32
        %dma_wait3A_221 = tpu.memref_slice %arg3[%add3A_183, %dma_wait3A_219, %dma_wait3A_220] : memref<2500x1x128xi32, #tpu.memory_space<hbm>> -> memref<1x1x128xi32, #tpu.memory_space<hbm>>
        %dma_wait3A_222 = tpu.memref_squeeze %dma_wait3A_221 : memref<1x1x128xi32, #tpu.memory_space<hbm>> -> memref<1x128xi32, #tpu.memory_space<hbm>>
        tpu.wait_dma2 semaphore(%dma_wait3A_214 : memref<!tpu.dma_semaphore, #tpu.memory_space<semaphore_mem>>) src(%dma_wait3A_222 : memref<1x128xi32, #tpu.memory_space<hbm>>) dst(%dma_wait3A_218 : memref<1x128xi32, #tpu.memory_space<vmem>>)
        %mul3A_223 = arith.constant 128 : i32
        %mul3A_224 = arith.muli %add3A_183, %mul3A_223 : i32
        %dma_wait3A_225 = arith.constant 1 : i32
        %dma_wait3A_226 = arith.constant 1 : i32
        %dma_wait3A_227 = arith.constant 0 : i32
        %dma_wait3A_228 = arith.constant 0 : i32
        %dma_wait3A_229 = tpu.memref_slice %arg7[%dma_wait3A_225, %dma_wait3A_227, %dma_wait3A_228] : memref<3x128x128xf32, #tpu.memory_space<vmem>> -> memref<1x128x128xf32, #tpu.memory_space<vmem>>
        %dma_wait3A_230 = tpu.memref_squeeze %dma_wait3A_229 : memref<1x128x128xf32, #tpu.memory_space<vmem>> -> memref<128x128xf32, #tpu.memory_space<vmem>>
        %dma_wait3A_231 = arith.constant 0 : i32
        %dma_wait3A_232 = tpu.memref_slice %arg2[%mul3A_224, %dma_wait3A_231] : memref<320000x128xf32, #tpu.memory_space<hbm>> -> memref<128x128xf32, #tpu.memory_space<hbm>>
        %dma_wait3A_233 = tpu.memref_slice %arg11[%dma_wait3A_226] : memref<3x!tpu.dma_semaphore, #tpu.memory_space<semaphore_mem>> -> memref<1x!tpu.dma_semaphore, #tpu.memory_space<semaphore_mem>>
        %dma_wait3A_234 = tpu.memref_squeeze %dma_wait3A_233 : memref<1x!tpu.dma_semaphore, #tpu.memory_space<semaphore_mem>> -> memref<!tpu.dma_semaphore, #tpu.memory_space<semaphore_mem>>
        %dma_wait3A_235 = arith.constant 0 : i32
        %dma_wait3A_236 = arith.constant 0 : i32
        %dma_wait3A_237 = tpu.memref_slice %arg7[%dma_wait3A_225, %dma_wait3A_235, %dma_wait3A_236] : memref<3x128x128xf32, #tpu.memory_space<vmem>> -> memref<1x128x128xf32, #tpu.memory_space<vmem>>
        %dma_wait3A_238 = tpu.memref_squeeze %dma_wait3A_237 : memref<1x128x128xf32, #tpu.memory_space<vmem>> -> memref<128x128xf32, #tpu.memory_space<vmem>>
        %dma_wait3A_239 = arith.constant 0 : i32
        %dma_wait3A_240 = tpu.memref_slice %arg2[%mul3A_224, %dma_wait3A_239] : memref<320000x128xf32, #tpu.memory_space<hbm>> -> memref<128x128xf32, #tpu.memory_space<hbm>>
        tpu.wait_dma2 semaphore(%dma_wait3A_234 : memref<!tpu.dma_semaphore, #tpu.memory_space<semaphore_mem>>) src(%dma_wait3A_240 : memref<128x128xf32, #tpu.memory_space<hbm>>) dst(%dma_wait3A_238 : memref<128x128xf32, #tpu.memory_space<vmem>>)
        %run_scoped3A = arith.constant 1 : i32
        %run_scoped3A_241 = arith.constant 1 : i32
        %run_scoped3A_242 = arith.constant 0 : i32
        "tpu.region"() ({
          %run_scoped3A_243 = tpu.sem_alloc : memref<!tpu.dma_semaphore, #tpu.memory_space<semaphore_mem>>
          %dma_start3A = arith.constant 0 : i32
          %dma_start3A_244 = arith.constant 0 : i32
          %dma_start3A_245 = tpu.memref_slice %arg7[%run_scoped3A, %dma_start3A, %dma_start3A_244] : memref<3x128x128xf32, #tpu.memory_space<vmem>> -> memref<1x128x128xf32, #tpu.memory_space<vmem>>
          %dma_start3A_246 = tpu.memref_squeeze %dma_start3A_245 : memref<1x128x128xf32, #tpu.memory_space<vmem>> -> memref<128x128xf32, #tpu.memory_space<vmem>>
          %dma_start3A_247 = arith.constant 0 : i32
          %dma_start3A_248 = tpu.memref_slice %arg8[%run_scoped3A_241, %run_scoped3A_242, %dma_start3A_247] : memref<3x1x128xi32, #tpu.memory_space<vmem>> -> memref<1x1x128xi32, #tpu.memory_space<vmem>>
          %dma_start3A_249 = tpu.memref_squeeze %dma_start3A_248 : memref<1x1x128xi32, #tpu.memory_space<vmem>> -> memref<128xi32, #tpu.memory_space<vmem>>
          %dma_start3A_250 = arith.constant 0 : i32
          %dma_start3A_251 = arith.constant 0 : i32
          %dma_start3A_252 = tpu.memref_slice %arg9[%dma_start3A_250, %dma_start3A_251] : memref<10008x128xf32, #tpu.memory_space<vmem_shared>> -> memref<10008x128xf32, #tpu.memory_space<vmem_shared>>
          tpu.enqueue_indirect_dma source(%dma_start3A_246 : memref<128x128xf32, #tpu.memory_space<vmem>>) target(%dma_start3A_252 : memref<10008x128xf32, #tpu.memory_space<vmem_shared>>) offsets(%dma_start3A_249 : memref<128xi32, #tpu.memory_space<vmem>>) semaphore(%run_scoped3A_243 : memref<!tpu.dma_semaphore, #tpu.memory_space<semaphore_mem>>) {add = true}
          %dma_wait3A_253 = arith.constant 0 : i32
          %dma_wait3A_254 = arith.constant 0 : i32
          %dma_wait3A_255 = tpu.memref_slice %arg7[%run_scoped3A, %dma_wait3A_253, %dma_wait3A_254] : memref<3x128x128xf32, #tpu.memory_space<vmem>> -> memref<1x128x128xf32, #tpu.memory_space<vmem>>
          %dma_wait3A_256 = tpu.memref_squeeze %dma_wait3A_255 : memref<1x128x128xf32, #tpu.memory_space<vmem>> -> memref<128x128xf32, #tpu.memory_space<vmem>>
          %dma_wait3A_257 = arith.constant 0 : i32
          %dma_wait3A_258 = tpu.memref_slice %arg8[%run_scoped3A_241, %run_scoped3A_242, %dma_wait3A_257] : memref<3x1x128xi32, #tpu.memory_space<vmem>> -> memref<1x1x128xi32, #tpu.memory_space<vmem>>
          %dma_wait3A_259 = tpu.memref_squeeze %dma_wait3A_258 : memref<1x1x128xi32, #tpu.memory_space<vmem>> -> memref<128xi32, #tpu.memory_space<vmem>>
          %dma_wait3A_260 = arith.constant 0 : i32
          %dma_wait3A_261 = arith.constant 0 : i32
          %dma_wait3A_262 = tpu.memref_slice %arg9[%dma_wait3A_260, %dma_wait3A_261] : memref<10008x128xf32, #tpu.memory_space<vmem_shared>> -> memref<10008x128xf32, #tpu.memory_space<vmem_shared>>
          tpu.wait_indirect_dma semaphore(%run_scoped3A_243 : memref<!tpu.dma_semaphore, #tpu.memory_space<semaphore_mem>>) src(%dma_wait3A_256 : memref<128x128xf32, #tpu.memory_space<vmem>>) dst(%dma_wait3A_262 : memref<10008x128xf32, #tpu.memory_space<vmem_shared>>)
          tpu.yield
        }) : () -> ()
      } else {
      }
      %mul3A_188 = arith.constant 3 : i32
      %mul3A_189 = arith.muli %while3A_155, %mul3A_188 : i32
      %add3A_190 = arith.constant 2 : i32
      %add3A_191 = arith.addi %mul3A_189, %add3A_190 : i32
      %add3A_192 = arith.constant 2 : i32
      %add3A_193 = arith.addi %add3A_191, %add3A_192 : i32
      %add3A_194 = arith.addi %add3A_90, %add3A_193 : i32
      %lt3A_195 = arith.cmpi slt, %add3A_194, %min3A : i32
      %convert_element_type3A_196 = arith.extui %lt3A_195 : i1 to i32
      %cond3A_197 = arith.constant 0 : i32
      %cond3A_198 = arith.cmpi ne, %convert_element_type3A_196, %cond3A_197 : i32
      scf.if %cond3A_198 {
        %dma_start3A = arith.constant 1 : i32
        %dma_start3A_204 = arith.constant 1 : i32
        %dma_start3A_205 = arith.constant 0 : i32
        %dma_start3A_206 = arith.constant 0 : i32
        %dma_start3A_207 = tpu.memref_slice %arg8[%dma_start3A, %dma_start3A_205, %dma_start3A_206] : memref<3x1x128xi32, #tpu.memory_space<vmem>> -> memref<1x1x128xi32, #tpu.memory_space<vmem>>
        %dma_start3A_208 = tpu.memref_squeeze %dma_start3A_207 : memref<1x1x128xi32, #tpu.memory_space<vmem>> -> memref<1x128xi32, #tpu.memory_space<vmem>>
        %dma_start3A_209 = arith.constant 0 : i32
        %dma_start3A_210 = arith.constant 0 : i32
        %dma_start3A_211 = tpu.memref_slice %arg3[%add3A_194, %dma_start3A_209, %dma_start3A_210] : memref<2500x1x128xi32, #tpu.memory_space<hbm>> -> memref<1x1x128xi32, #tpu.memory_space<hbm>>
        %dma_start3A_212 = tpu.memref_squeeze %dma_start3A_211 : memref<1x1x128xi32, #tpu.memory_space<hbm>> -> memref<1x128xi32, #tpu.memory_space<hbm>>
        %dma_start3A_213 = tpu.memref_slice %arg12[%dma_start3A_204] : memref<3x!tpu.dma_semaphore, #tpu.memory_space<semaphore_mem>> -> memref<1x!tpu.dma_semaphore, #tpu.memory_space<semaphore_mem>>
        %dma_start3A_214 = tpu.memref_squeeze %dma_start3A_213 : memref<1x!tpu.dma_semaphore, #tpu.memory_space<semaphore_mem>> -> memref<!tpu.dma_semaphore, #tpu.memory_space<semaphore_mem>>
        %dma_start3A_215 = arith.constant 0 : i32
        %dma_start3A_216 = arith.constant 0 : i32
        %dma_start3A_217 = tpu.memref_slice %arg8[%dma_start3A, %dma_start3A_215, %dma_start3A_216] : memref<3x1x128xi32, #tpu.memory_space<vmem>> -> memref<1x1x128xi32, #tpu.memory_space<vmem>>
        %dma_start3A_218 = tpu.memref_squeeze %dma_start3A_217 : memref<1x1x128xi32, #tpu.memory_space<vmem>> -> memref<1x128xi32, #tpu.memory_space<vmem>>
        %dma_start3A_219 = arith.constant 0 : i32
        %dma_start3A_220 = arith.constant 0 : i32
        %dma_start3A_221 = tpu.memref_slice %arg3[%add3A_194, %dma_start3A_219, %dma_start3A_220] : memref<2500x1x128xi32, #tpu.memory_space<hbm>> -> memref<1x1x128xi32, #tpu.memory_space<hbm>>
        %dma_start3A_222 = tpu.memref_squeeze %dma_start3A_221 : memref<1x1x128xi32, #tpu.memory_space<hbm>> -> memref<1x128xi32, #tpu.memory_space<hbm>>
        tpu.enqueue_dma source(%dma_start3A_222 : memref<1x128xi32, #tpu.memory_space<hbm>>) target(%dma_start3A_218 : memref<1x128xi32, #tpu.memory_space<vmem>>) target_semaphore(%dma_start3A_214 : memref<!tpu.dma_semaphore, #tpu.memory_space<semaphore_mem>>)
        %mul3A_223 = arith.constant 128 : i32
        %mul3A_224 = arith.muli %add3A_194, %mul3A_223 : i32
        %dma_start3A_225 = arith.constant 1 : i32
        %dma_start3A_226 = arith.constant 1 : i32
        %dma_start3A_227 = arith.constant 0 : i32
        %dma_start3A_228 = arith.constant 0 : i32
        %dma_start3A_229 = tpu.memref_slice %arg7[%dma_start3A_225, %dma_start3A_227, %dma_start3A_228] : memref<3x128x128xf32, #tpu.memory_space<vmem>> -> memref<1x128x128xf32, #tpu.memory_space<vmem>>
        %dma_start3A_230 = tpu.memref_squeeze %dma_start3A_229 : memref<1x128x128xf32, #tpu.memory_space<vmem>> -> memref<128x128xf32, #tpu.memory_space<vmem>>
        %dma_start3A_231 = arith.constant 0 : i32
        %dma_start3A_232 = tpu.memref_slice %arg2[%mul3A_224, %dma_start3A_231] : memref<320000x128xf32, #tpu.memory_space<hbm>> -> memref<128x128xf32, #tpu.memory_space<hbm>>
        %dma_start3A_233 = tpu.memref_slice %arg11[%dma_start3A_226] : memref<3x!tpu.dma_semaphore, #tpu.memory_space<semaphore_mem>> -> memref<1x!tpu.dma_semaphore, #tpu.memory_space<semaphore_mem>>
        %dma_start3A_234 = tpu.memref_squeeze %dma_start3A_233 : memref<1x!tpu.dma_semaphore, #tpu.memory_space<semaphore_mem>> -> memref<!tpu.dma_semaphore, #tpu.memory_space<semaphore_mem>>
        %dma_start3A_235 = arith.constant 0 : i32
        %dma_start3A_236 = arith.constant 0 : i32
        %dma_start3A_237 = tpu.memref_slice %arg7[%dma_start3A_225, %dma_start3A_235, %dma_start3A_236] : memref<3x128x128xf32, #tpu.memory_space<vmem>> -> memref<1x128x128xf32, #tpu.memory_space<vmem>>
        %dma_start3A_238 = tpu.memref_squeeze %dma_start3A_237 : memref<1x128x128xf32, #tpu.memory_space<vmem>> -> memref<128x128xf32, #tpu.memory_space<vmem>>
        %dma_start3A_239 = arith.constant 0 : i32
        %dma_start3A_240 = tpu.memref_slice %arg2[%mul3A_224, %dma_start3A_239] : memref<320000x128xf32, #tpu.memory_space<hbm>> -> memref<128x128xf32, #tpu.memory_space<hbm>>
        tpu.enqueue_dma source(%dma_start3A_240 : memref<128x128xf32, #tpu.memory_space<hbm>>) target(%dma_start3A_238 : memref<128x128xf32, #tpu.memory_space<vmem>>) target_semaphore(%dma_start3A_234 : memref<!tpu.dma_semaphore, #tpu.memory_space<semaphore_mem>>)
      } else {
      }
      %add3A_199 = arith.addi %add3A_90, %add3A_191 : i32
      %lt3A_200 = arith.cmpi slt, %add3A_199, %min3A : i32
      %convert_element_type3A_201 = arith.extui %lt3A_200 : i1 to i32
      %cond3A_202 = arith.constant 0 : i32
      %cond3A_203 = arith.cmpi ne, %convert_element_type3A_201, %cond3A_202 : i32
      scf.if %cond3A_203 {
        %dma_wait3A = arith.constant 2 : i32
        %dma_wait3A_204 = arith.constant 2 : i32
        %dma_wait3A_205 = arith.constant 0 : i32
        %dma_wait3A_206 = arith.constant 0 : i32
        %dma_wait3A_207 = tpu.memref_slice %arg8[%dma_wait3A, %dma_wait3A_205, %dma_wait3A_206] : memref<3x1x128xi32, #tpu.memory_space<vmem>> -> memref<1x1x128xi32, #tpu.memory_space<vmem>>
        %dma_wait3A_208 = tpu.memref_squeeze %dma_wait3A_207 : memref<1x1x128xi32, #tpu.memory_space<vmem>> -> memref<1x128xi32, #tpu.memory_space<vmem>>
        %dma_wait3A_209 = arith.constant 0 : i32
        %dma_wait3A_210 = arith.constant 0 : i32
        %dma_wait3A_211 = tpu.memref_slice %arg3[%add3A_199, %dma_wait3A_209, %dma_wait3A_210] : memref<2500x1x128xi32, #tpu.memory_space<hbm>> -> memref<1x1x128xi32, #tpu.memory_space<hbm>>
        %dma_wait3A_212 = tpu.memref_squeeze %dma_wait3A_211 : memref<1x1x128xi32, #tpu.memory_space<hbm>> -> memref<1x128xi32, #tpu.memory_space<hbm>>
        %dma_wait3A_213 = tpu.memref_slice %arg12[%dma_wait3A_204] : memref<3x!tpu.dma_semaphore, #tpu.memory_space<semaphore_mem>> -> memref<1x!tpu.dma_semaphore, #tpu.memory_space<semaphore_mem>>
        %dma_wait3A_214 = tpu.memref_squeeze %dma_wait3A_213 : memref<1x!tpu.dma_semaphore, #tpu.memory_space<semaphore_mem>> -> memref<!tpu.dma_semaphore, #tpu.memory_space<semaphore_mem>>
        %dma_wait3A_215 = arith.constant 0 : i32
        %dma_wait3A_216 = arith.constant 0 : i32
        %dma_wait3A_217 = tpu.memref_slice %arg8[%dma_wait3A, %dma_wait3A_215, %dma_wait3A_216] : memref<3x1x128xi32, #tpu.memory_space<vmem>> -> memref<1x1x128xi32, #tpu.memory_space<vmem>>
        %dma_wait3A_218 = tpu.memref_squeeze %dma_wait3A_217 : memref<1x1x128xi32, #tpu.memory_space<vmem>> -> memref<1x128xi32, #tpu.memory_space<vmem>>
        %dma_wait3A_219 = arith.constant 0 : i32
        %dma_wait3A_220 = arith.constant 0 : i32
        %dma_wait3A_221 = tpu.memref_slice %arg3[%add3A_199, %dma_wait3A_219, %dma_wait3A_220] : memref<2500x1x128xi32, #tpu.memory_space<hbm>> -> memref<1x1x128xi32, #tpu.memory_space<hbm>>
        %dma_wait3A_222 = tpu.memref_squeeze %dma_wait3A_221 : memref<1x1x128xi32, #tpu.memory_space<hbm>> -> memref<1x128xi32, #tpu.memory_space<hbm>>
        tpu.wait_dma2 semaphore(%dma_wait3A_214 : memref<!tpu.dma_semaphore, #tpu.memory_space<semaphore_mem>>) src(%dma_wait3A_222 : memref<1x128xi32, #tpu.memory_space<hbm>>) dst(%dma_wait3A_218 : memref<1x128xi32, #tpu.memory_space<vmem>>)
        %mul3A_223 = arith.constant 128 : i32
        %mul3A_224 = arith.muli %add3A_199, %mul3A_223 : i32
        %dma_wait3A_225 = arith.constant 2 : i32
        %dma_wait3A_226 = arith.constant 2 : i32
        %dma_wait3A_227 = arith.constant 0 : i32
        %dma_wait3A_228 = arith.constant 0 : i32
        %dma_wait3A_229 = tpu.memref_slice %arg7[%dma_wait3A_225, %dma_wait3A_227, %dma_wait3A_228] : memref<3x128x128xf32, #tpu.memory_space<vmem>> -> memref<1x128x128xf32, #tpu.memory_space<vmem>>
        %dma_wait3A_230 = tpu.memref_squeeze %dma_wait3A_229 : memref<1x128x128xf32, #tpu.memory_space<vmem>> -> memref<128x128xf32, #tpu.memory_space<vmem>>
        %dma_wait3A_231 = arith.constant 0 : i32
        %dma_wait3A_232 = tpu.memref_slice %arg2[%mul3A_224, %dma_wait3A_231] : memref<320000x128xf32, #tpu.memory_space<hbm>> -> memref<128x128xf32, #tpu.memory_space<hbm>>
        %dma_wait3A_233 = tpu.memref_slice %arg11[%dma_wait3A_226] : memref<3x!tpu.dma_semaphore, #tpu.memory_space<semaphore_mem>> -> memref<1x!tpu.dma_semaphore, #tpu.memory_space<semaphore_mem>>
        %dma_wait3A_234 = tpu.memref_squeeze %dma_wait3A_233 : memref<1x!tpu.dma_semaphore, #tpu.memory_space<semaphore_mem>> -> memref<!tpu.dma_semaphore, #tpu.memory_space<semaphore_mem>>
        %dma_wait3A_235 = arith.constant 0 : i32
        %dma_wait3A_236 = arith.constant 0 : i32
        %dma_wait3A_237 = tpu.memref_slice %arg7[%dma_wait3A_225, %dma_wait3A_235, %dma_wait3A_236] : memref<3x128x128xf32, #tpu.memory_space<vmem>> -> memref<1x128x128xf32, #tpu.memory_space<vmem>>
        %dma_wait3A_238 = tpu.memref_squeeze %dma_wait3A_237 : memref<1x128x128xf32, #tpu.memory_space<vmem>> -> memref<128x128xf32, #tpu.memory_space<vmem>>
        %dma_wait3A_239 = arith.constant 0 : i32
        %dma_wait3A_240 = tpu.memref_slice %arg2[%mul3A_224, %dma_wait3A_239] : memref<320000x128xf32, #tpu.memory_space<hbm>> -> memref<128x128xf32, #tpu.memory_space<hbm>>
        tpu.wait_dma2 semaphore(%dma_wait3A_234 : memref<!tpu.dma_semaphore, #tpu.memory_space<semaphore_mem>>) src(%dma_wait3A_240 : memref<128x128xf32, #tpu.memory_space<hbm>>) dst(%dma_wait3A_238 : memref<128x128xf32, #tpu.memory_space<vmem>>)
        %run_scoped3A = arith.constant 2 : i32
        %run_scoped3A_241 = arith.constant 2 : i32
        %run_scoped3A_242 = arith.constant 0 : i32
        "tpu.region"() ({
          %run_scoped3A_243 = tpu.sem_alloc : memref<!tpu.dma_semaphore, #tpu.memory_space<semaphore_mem>>
          %dma_start3A = arith.constant 0 : i32
          %dma_start3A_244 = arith.constant 0 : i32
          %dma_start3A_245 = tpu.memref_slice %arg7[%run_scoped3A, %dma_start3A, %dma_start3A_244] : memref<3x128x128xf32, #tpu.memory_space<vmem>> -> memref<1x128x128xf32, #tpu.memory_space<vmem>>
          %dma_start3A_246 = tpu.memref_squeeze %dma_start3A_245 : memref<1x128x128xf32, #tpu.memory_space<vmem>> -> memref<128x128xf32, #tpu.memory_space<vmem>>
          %dma_start3A_247 = arith.constant 0 : i32
          %dma_start3A_248 = tpu.memref_slice %arg8[%run_scoped3A_241, %run_scoped3A_242, %dma_start3A_247] : memref<3x1x128xi32, #tpu.memory_space<vmem>> -> memref<1x1x128xi32, #tpu.memory_space<vmem>>
          %dma_start3A_249 = tpu.memref_squeeze %dma_start3A_248 : memref<1x1x128xi32, #tpu.memory_space<vmem>> -> memref<128xi32, #tpu.memory_space<vmem>>
          %dma_start3A_250 = arith.constant 0 : i32
          %dma_start3A_251 = arith.constant 0 : i32
          %dma_start3A_252 = tpu.memref_slice %arg9[%dma_start3A_250, %dma_start3A_251] : memref<10008x128xf32, #tpu.memory_space<vmem_shared>> -> memref<10008x128xf32, #tpu.memory_space<vmem_shared>>
          tpu.enqueue_indirect_dma source(%dma_start3A_246 : memref<128x128xf32, #tpu.memory_space<vmem>>) target(%dma_start3A_252 : memref<10008x128xf32, #tpu.memory_space<vmem_shared>>) offsets(%dma_start3A_249 : memref<128xi32, #tpu.memory_space<vmem>>) semaphore(%run_scoped3A_243 : memref<!tpu.dma_semaphore, #tpu.memory_space<semaphore_mem>>) {add = true}
          %dma_wait3A_253 = arith.constant 0 : i32
          %dma_wait3A_254 = arith.constant 0 : i32
          %dma_wait3A_255 = tpu.memref_slice %arg7[%run_scoped3A, %dma_wait3A_253, %dma_wait3A_254] : memref<3x128x128xf32, #tpu.memory_space<vmem>> -> memref<1x128x128xf32, #tpu.memory_space<vmem>>
          %dma_wait3A_256 = tpu.memref_squeeze %dma_wait3A_255 : memref<1x128x128xf32, #tpu.memory_space<vmem>> -> memref<128x128xf32, #tpu.memory_space<vmem>>
          %dma_wait3A_257 = arith.constant 0 : i32
          %dma_wait3A_258 = tpu.memref_slice %arg8[%run_scoped3A_241, %run_scoped3A_242, %dma_wait3A_257] : memref<3x1x128xi32, #tpu.memory_space<vmem>> -> memref<1x1x128xi32, #tpu.memory_space<vmem>>
          %dma_wait3A_259 = tpu.memref_squeeze %dma_wait3A_258 : memref<1x1x128xi32, #tpu.memory_space<vmem>> -> memref<128xi32, #tpu.memory_space<vmem>>
          %dma_wait3A_260 = arith.constant 0 : i32
          %dma_wait3A_261 = arith.constant 0 : i32
          %dma_wait3A_262 = tpu.memref_slice %arg9[%dma_wait3A_260, %dma_wait3A_261] : memref<10008x128xf32, #tpu.memory_space<vmem_shared>> -> memref<10008x128xf32, #tpu.memory_space<vmem_shared>>
          tpu.wait_indirect_dma semaphore(%run_scoped3A_243 : memref<!tpu.dma_semaphore, #tpu.memory_space<semaphore_mem>>) src(%dma_wait3A_256 : memref<128x128xf32, #tpu.memory_space<vmem>>) dst(%dma_wait3A_262 : memref<10008x128xf32, #tpu.memory_space<vmem_shared>>)
          tpu.yield
        }) : () -> ()
      } else {
      }
    }
    %barrier3A_144 = arith.constant 0 : index
    tpu.barrier barrier_id(%barrier3A_144)
    %lt3A_145 = arith.constant 15 : i32
    %lt3A_146 = arith.cmpi slt, %arg1, %lt3A_145 : i32
    %convert_element_type3A_147 = arith.extui %lt3A_146 : i1 to i32
    %cond3A_148 = arith.constant 0 : i32
    %cond3A_149 = arith.cmpi ne, %convert_element_type3A_147, %cond3A_148 : i32
    scf.if %cond3A_149 {
      %mul3A_155 = arith.constant 320 : i32
      %mul3A_156 = arith.muli %arg1, %mul3A_155 : i32
      %add3A_157 = arith.addi %mul3A_52, %mul3A_156 : i32
      %mul3A_158 = arith.constant 320 : i32
      %mul3A_159 = arith.muli %arg1, %mul3A_158 : i32
      %add3A_160 = arith.addi %mul3A_52, %mul3A_159 : i32
      "tpu.region"() ({
        %run_scoped3A = tpu.sem_alloc : memref<!tpu.dma_semaphore, #tpu.memory_space<semaphore_mem>>
        %dma_start3A = arith.constant 0 : i32
        %dma_start3A_161 = tpu.memref_slice %arg6[%add3A_160, %dma_start3A] : memref<10000x128xf32, #tpu.memory_space<hbm>> -> memref<320x128xf32, #tpu.memory_space<hbm>>
        %dma_start3A_162 = arith.constant 0 : i32
        %dma_start3A_163 = tpu.memref_slice %arg9[%add3A_157, %dma_start3A_162] : memref<10008x128xf32, #tpu.memory_space<vmem_shared>> -> memref<320x128xf32, #tpu.memory_space<vmem_shared>>
        tpu.enqueue_dma source(%dma_start3A_163 : memref<320x128xf32, #tpu.memory_space<vmem_shared>>) target(%dma_start3A_161 : memref<320x128xf32, #tpu.memory_space<hbm>>) target_semaphore(%run_scoped3A : memref<!tpu.dma_semaphore, #tpu.memory_space<semaphore_mem>>)
        %dma_wait3A = arith.constant 0 : i32
        %dma_wait3A_164 = tpu.memref_slice %arg6[%add3A_160, %dma_wait3A] : memref<10000x128xf32, #tpu.memory_space<hbm>> -> memref<320x128xf32, #tpu.memory_space<hbm>>
        %dma_wait3A_165 = arith.constant 0 : i32
        %dma_wait3A_166 = tpu.memref_slice %arg9[%add3A_157, %dma_wait3A_165] : memref<10008x128xf32, #tpu.memory_space<vmem_shared>> -> memref<320x128xf32, #tpu.memory_space<vmem_shared>>
        tpu.wait_dma2 semaphore(%run_scoped3A : memref<!tpu.dma_semaphore, #tpu.memory_space<semaphore_mem>>) src(%dma_wait3A_166 : memref<320x128xf32, #tpu.memory_space<vmem_shared>>) dst(%dma_wait3A_164 : memref<320x128xf32, #tpu.memory_space<hbm>>)
        tpu.yield
      }) : () -> ()
    } else {
    }
    %eq3A_150 = arith.constant 15 : i32
    %eq3A_151 = arith.cmpi eq, %arg1, %eq3A_150 : i32
    %convert_element_type3A_152 = arith.extui %eq3A_151 : i1 to i32
    %cond3A_153 = arith.constant 0 : i32
    %cond3A_154 = arith.cmpi ne, %convert_element_type3A_152, %cond3A_153 : i32
    scf.if %cond3A_154 {
      %add3A_155 = arith.constant 4800 : i32
      %add3A_156 = arith.addi %mul3A_52, %add3A_155 : i32
      %add3A_157 = arith.constant 4800 : i32
      %add3A_158 = arith.addi %mul3A_52, %add3A_157 : i32
      "tpu.region"() ({
        %run_scoped3A = tpu.sem_alloc : memref<!tpu.dma_semaphore, #tpu.memory_space<semaphore_mem>>
        %dma_start3A = arith.constant 0 : i32
        %dma_start3A_159 = tpu.memref_slice %arg6[%add3A_158, %dma_start3A] : memref<10000x128xf32, #tpu.memory_space<hbm>> -> memref<200x128xf32, #tpu.memory_space<hbm>>
        %dma_start3A_160 = arith.constant 0 : i32
        %dma_start3A_161 = tpu.memref_slice %arg9[%add3A_156, %dma_start3A_160] : memref<10008x128xf32, #tpu.memory_space<vmem_shared>> -> memref<200x128xf32, #tpu.memory_space<vmem_shared>>
        tpu.enqueue_dma source(%dma_start3A_161 : memref<200x128xf32, #tpu.memory_space<vmem_shared>>) target(%dma_start3A_159 : memref<200x128xf32, #tpu.memory_space<hbm>>) target_semaphore(%run_scoped3A : memref<!tpu.dma_semaphore, #tpu.memory_space<semaphore_mem>>)
        %dma_wait3A = arith.constant 0 : i32
        %dma_wait3A_162 = tpu.memref_slice %arg6[%add3A_158, %dma_wait3A] : memref<10000x128xf32, #tpu.memory_space<hbm>> -> memref<200x128xf32, #tpu.memory_space<hbm>>
        %dma_wait3A_163 = arith.constant 0 : i32
        %dma_wait3A_164 = tpu.memref_slice %arg9[%add3A_156, %dma_wait3A_163] : memref<10008x128xf32, #tpu.memory_space<vmem_shared>> -> memref<200x128xf32, #tpu.memory_space<vmem_shared>>
        tpu.wait_dma2 semaphore(%run_scoped3A : memref<!tpu.dma_semaphore, #tpu.memory_space<semaphore_mem>>) src(%dma_wait3A_164 : memref<200x128xf32, #tpu.memory_space<vmem_shared>>) dst(%dma_wait3A_162 : memref<200x128xf32, #tpu.memory_space<hbm>>)
        tpu.yield
      }) : () -> ()
    } else {
    }
    return
  }
}

module attributes {stable_mosaic.version = 14 : i64} {
  func.func @body(%arg0: memref<2500x128xi32, #tpu.memory_space<vmem>>, %arg1: memref<1x16xi32, #tpu.memory_space<vmem>>, %arg2: memref<320x128xf32, #tpu.memory_space<vmem>>) attributes {dimension_semantics = [], scalar_prefetch = 0 : i64, scratch_operands = 0 : i64, tpu.core_type = #tpu.core_type<tc>} {
    %get3A = arith.constant 0 : index
    %get3A_0 = arith.constant 0 : index
    %get3A_1 = vector.load %arg0[%get3A, %get3A_0] : memref<2500x128xi32, #tpu.memory_space<vmem>>, vector<2500x128xi32>
    %lt3A = arith.constant 5000 : i32
    %lt3A_2 = vector.broadcast %lt3A : i32 to vector<2500x128xi32>
    %lt3A_3 = arith.cmpi slt, %get3A_1, %lt3A_2 : vector<2500x128xi32>
    %convert_element_type3A = arith.extui %lt3A_3 : vector<2500x128xi1> to vector<2500x128xi32>
    %reduce_sum3A = vector.shape_cast %convert_element_type3A : vector<2500x128xi32> to vector<1x2500x128xi32>
    %reduce_sum3A_4 = arith.constant dense<0> : vector<1xi32>
    %reduce_sum3A_5 = vector.multi_reduction <add>, %reduce_sum3A, %reduce_sum3A_4 [1, 2] : vector<1x2500x128xi32> to vector<1xi32>
    %reduce_sum3A_6 = vector.shape_cast %reduce_sum3A_5 : vector<1xi32> to vector<1x1x1xi32>
    %reduce_sum3A_7 = vector.extract %reduce_sum3A_6[0, 0, 0] : i32 from vector<1x1x1xi32>
    %broadcast_in_dim3A = vector.broadcast %reduce_sum3A_7 : i32 to vector<1x16xi32>
    %swap3A = arith.constant 0 : index
    %swap3A_8 = arith.constant 0 : index
    %swap3A_9 = vector.load %arg1[%swap3A, %swap3A_8] : memref<1x16xi32, #tpu.memory_space<vmem>>, vector<1x16xi32>
    tpu.vector_store %arg1[%swap3A, %swap3A_8], %broadcast_in_dim3A {strides = array<i32>} : memref<1x16xi32, #tpu.memory_space<vmem>>, vector<1x16xi32>,
    %broadcast_in_dim3A_10 = arith.constant 0.000000e+00 : f32
    %broadcast_in_dim3A_11 = vector.broadcast %broadcast_in_dim3A_10 : f32 to vector<320x128xf32>
    %swap3A_12 = arith.constant 0 : index
    %swap3A_13 = arith.constant 0 : index
    %swap3A_14 = vector.load %arg2[%swap3A_12, %swap3A_13] : memref<320x128xf32, #tpu.memory_space<vmem>>, vector<320x128xf32>
    tpu.vector_store %arg2[%swap3A_12, %swap3A_13], %broadcast_in_dim3A_11 {strides = array<i32>} : memref<320x128xf32, #tpu.memory_space<vmem>>, vector<320x128xf32>,
    return
  }
}

</mosaic_0001>

<sc_bundles>
// kernel: kernel.4.cloned.1.call-start
scs
__scs_entry_jumppad:
0x0: {  	(pc) =	sbr.rel $0x88, $3  }
0x1: {  	(tag) =	ssettag $0x0;
	lr =	simm.s32 $0x1  }
0x2: {  	[smem:$0x3F9F] =	sst lr;
	_ =	strace $0xD0000000  }
0x3: {  	_ = 	snop  }
0x4: {  	_ = 	snop  }
0x5: {  	_ = 	snop  }
0x6: {  	_ = 	snop  }
0x7: {  	_ = 	snop  }
__scs_overlays_trampoline_lowered:
0x8: {  	[smem:$0x3FAE] =	sst s0  }
0x9: {  	[smem:$0x3FAF] =	sst s1  }
0xa: {  	[smem:$0x3FB0] =	sst s2  }
0xb: {  	[smem:$0x3FB1] =	sst s3  }
0xc: {  	[smem:$0x3FB2] =	sst s4  }
0xd: {  	[smem:$0x3FB3] =	sst s5  }
0xe: {  	[smem:$0x3FB4] =	sst s6  }
0xf: {  	[smem:$0x3FB5] =	sst s7  }
0x10: {  	[smem:$0x3FB6] =	sst s8  }
0x11: {  	[smem:$0x3FB7] =	sst s9;
	s0 =	simm.s32 @!p0 $0x0  }
0x12: {  	s1 =	sld [smem:$0x3F9D];
	s0 =	simm.s32 @p0 $0x1  }
0x13: {  	[smem:$0x3FB8] =	sst s0;
	s0 =	simm.s32 @!p1 $0x0  }
0x14: {  	s2 =	sld [smem:$0x3F9C];
	s0 =	simm.s32 @p1 $0x1  }
0x15: {  	[smem:$0x3FB9] =	sst s0;
	s0 =	simm.s32 @!p2 $0x0  }
0x16: {  	s3 =	sld [smem:$0x3FDB];
	s0 =	simm.s32 @p2 $0x1  }
0x17: {  	s4 =	simm.s32 $0x1BF5;
	[smem:$0x3FBB] =	sst s0  }
0x18: {  	s0 =	sld [smem:$0x3F9E];
	_ =	swait.ge [sflag:s4], $0x0  }
0x19: {  	s7 =	sld [smem:$0x3F9F]  }
0x1a: {  	s8 =	sadd.s32 $0xFFFFE003, lr  }
0x1b: {  	s9 =	sadd.s32 $0xFFFFFEF7, lr;
	s5 =	simm.s32 $0xFFFFFFFF;
	p2 =	slt.u32 s8, $0xFFFFF086  }
0x1c: {  	p1 =	slt.u32 s9, $0xF7A;
	s5 =	simm.s32 @!p2 $0x0  }
0x1d: {  	s5 =	simm.s32 @p1 $0x1;
	p0 =	seq.s32 s7, s2  }
0x1e: {  	s7 =	smul.u32 @!p0 $0xF7A, s2;
	p2 =	seq.s32 @!p0 s5, $0x0  }
0x1f: {  	s9 =	smul.u32 $0xF7A, s1;
	s8 =	simm.s32 @!p0 $0x1BF5;
	p2 =	por !p2, p0  }
0x20: {  	[sflag:s8] =	ssyncset.s32 @!p0 $0xFFFFF086;
	s6 =	sadd.s32 @!p0 s3, s7;
	s7 =	simm.s32 @!p0 $0x108  }
0x21: {  	s3 =	sadd.s32 s3, s9;
	s6 =	sadd.s32 @!p0 $0x88, s6;
	s7 =	simm.s32 @p2 $0x1082  }
0x22: {  	[simem:s7], [sflag:s8] =	dma.local @!p0 [hbm:s6], $0xF7A  }
0x23: {  	s9 =	sor.u32 $0xD0000000, s2;
	s6 =	simm.s32 $0x108;
	_ =	swait.ge @!p0 [sflag:s8], $0x0  }
0x24: {  	s3 =	sadd.s32 $0x88, s3;
	s6 =	simm.s32 @!p1 $0x1082;
	[sflag:s4] =	ssyncset.s32 $0xFFFFF086  }
0x25: {  	[simem:s6], [sflag:s4] =	dma.local [hbm:s3], $0xF7A  }
0x26: {  	[smem:$0x3F9F] =	sst s1;
	(tag) =	ssettag s2;
	_ =	strace s9  }
0x27: {  	s1 =	sld [smem:$0x3FAF]  }
0x28: {  	s2 =	sld [smem:$0x3FB0]  }
0x29: {  	s4 =	sld [smem:$0x3FB2]  }
0x2a: {  	p0 =	seq.s32 s5, $0x0;
	s5 =	sld [smem:$0x3FB3]  }
0x2b: {  	s6 =	sld [smem:$0x3FB4]  }
0x2c: {  	s7 =	sld [smem:$0x3FB5]  }
0x2d: {  	s3 =	simm.s32 $0x108;
	s8 =	sld [smem:$0x3FB6]  }
0x2e: {  	s3 =	simm.s32 @!p0 $0x1082;
	s9 =	sld [smem:$0x3FB7]  }
0x2f: {  	lr =	sadd.s32 s0, s3;
	s0 =	sld [smem:$0x3FAE]  }
0x30: {  	s3 =	sld [smem:$0x3FB1]  }
0x31: {  	[smem:$0x3FBA] =	sst s10  }
0x32: {  	s10 =	sld [smem:$0x3FB8];
	_ =	sdelay $0x3  }
0x33: {  	p0 =	seq.s32 s10, $0x1;
	s10 =	sld [smem:$0x3FBA];
	_ =	sdelay $0x3  }
0x34: {  	[smem:$0x3FBA] =	sst s10  }
0x35: {  	s10 =	sld [smem:$0x3FB9];
	_ =	sdelay $0x3  }
0x36: {  	p1 =	seq.s32 s10, $0x1;
	s10 =	sld [smem:$0x3FBA];
	_ =	sdelay $0x3  }
0x37: {  	[smem:$0x3FBA] =	sst s10  }
0x38: {  	s10 =	sld [smem:$0x3FBB]  }
0x39: {  	_ = 	snop;
	(pc) =	sbr.ind lr, $3  }
0x3a: {  	_ = 	snop  }
0x3b: {  	_ = 	snop  }
0x3c: {  	p2 =	seq.s32 s10, $0x1;
	s10 =	sld [smem:$0x3FBA]  }
0x3d: {  	_ =	shalt  }
0x3e: {  	_ =	shalt  }
0x3f: {  	_ =	shalt  }
0x40: {  	_ =	shalt  }
0x41: {  	_ =	shalt  }
0x42: {  	_ =	shalt  }
0x43: {  	_ =	shalt  }
0x44: {  	_ =	shalt  }
0x45: {  	_ =	shalt  }
0x46: {  	_ =	shalt  }
0x47: {  	_ =	shalt  }
0x48: {  	_ =	shalt  }
0x49: {  	_ =	shalt  }
0x4a: {  	_ =	shalt  }
0x4b: {  	_ =	shalt  }
0x4c: {  	_ =	shalt  }
0x4d: {  	_ =	shalt  }
0x4e: {  	_ =	shalt  }
0x4f: {  	_ =	shalt  }
0x50: {  	_ =	shalt  }
0x51: {  	_ =	shalt  }
0x52: {  	_ =	shalt  }
0x53: {  	_ =	shalt  }
0x54: {  	_ =	shalt  }
0x55: {  	_ =	shalt  }
0x56: {  	_ =	shalt  }
0x57: {  	_ =	shalt  }
0x58: {  	_ =	shalt  }
0x59: {  	_ =	shalt  }
0x5a: {  	_ =	shalt  }
0x5b: {  	_ =	shalt  }
0x5c: {  	_ =	shalt  }
0x5d: {  	_ =	shalt  }
0x5e: {  	_ =	shalt  }
0x5f: {  	_ =	shalt  }
0x60: {  	_ =	shalt  }
0x61: {  	_ =	shalt  }
0x62: {  	_ =	shalt  }
0x63: {  	_ =	shalt  }
0x64: {  	_ =	shalt  }
0x65: {  	_ =	shalt  }
0x66: {  	_ =	shalt  }
0x67: {  	_ =	shalt  }
0x68: {  	_ =	shalt  }
0x69: {  	_ =	shalt  }
0x6a: {  	_ =	shalt  }
0x6b: {  	_ =	shalt  }
0x6c: {  	_ =	shalt  }
0x6d: {  	_ =	shalt  }
0x6e: {  	_ =	shalt  }
0x6f: {  	_ =	shalt  }
0x70: {  	_ =	shalt  }
0x71: {  	_ =	shalt  }
0x72: {  	_ =	shalt  }
0x73: {  	_ =	shalt  }
0x74: {  	_ =	shalt  }
0x75: {  	_ =	shalt  }
0x76: {  	_ =	shalt  }
0x77: {  	_ =	shalt  }
0x78: {  	_ =	shalt  }
0x79: {  	_ =	shalt  }
0x7a: {  	_ =	shalt  }
0x7b: {  	_ =	shalt  }
0x7c: {  	_ =	shalt  }
0x7d: {  	_ =	shalt  }
0x7e: {  	_ =	shalt  }
0x7f: {  	_ =	shalt  }
0x80: {  	_ =	shalt  }
0x81: {  	_ =	shalt  }
0x82: {  	_ =	shalt  }
0x83: {  	_ =	shalt  }
0x84: {  	_ =	shalt  }
0x85: {  	_ =	shalt  }
0x86: {  	_ =	shalt  }
0x87: {  	_ =	shalt  }
.Lfunc_end0:
.L_simem_size_0:
called_computation_lowered:
.L_overlay_start_0:
0x88: {  	s2 =	sld [smem:$0x3FD9]  }
0x89: {  	s3 =	sld [smem:$0x3FFE];
	_ =	sdelay $0x1  }
0x8a: {  	s1 =	srdreg.scid  }
0x8b: {  	s0 =	sand.u32 $0x1, s1  }
0x8c: {  	s17 =	sshll.u32 s0, $0xA;
	s2 =	sadd.s32 s3, s2  }
0x8d: {  	s2 =	sadd.s32 s2, s17  }
0x8e: {  	[smem:$0x3FC6] =	sst s2  }
0x8f: {  	_ = 	snop  }
0x90: {  	s2 =	sld [smem:$0x3FC9]  }
0x91: {  	s18 =	sld [smem:$0x3FC8]  }
0x92: {  	s4 =	sld [smem:$0x3FD0];
	(tm) =	ssettm $0x1  }
0x93: {  	s5 =	sld [smem:$0x3FFB];
	_ =	sdelay $0x3  }
0x94: {  	_ =	strace s5  }
0x95: {  	s5 =	sld [smem:$0x3FFC];
	_ =	sdelay $0x3  }
0x96: {  	_ =	strace s5  }
0x97: {  	s5 =	sld [smem:$0x3FFD];
	_ =	sdelay $0x3  }
0x98: {  	_ =	strace s5  }
0x99: {  	_ =	strace $0x8FFFFFFF  }
0x9a: {  	s19 =	sld [smem:$0x3FDB];
	_ =	sdelay $0x1  }
0x9b: {  	s6 =	simm.s32 $_scs_section_size  }
0x9c: {  	s7 =	simm.s32 $_size__tile_overlayer_lowered;
	s8 =	simm.s32 $_tile_overlayer_lowered  }
0x9d: {  	s22 =	simm.s32 $0x1BFF;
	s21 =	sshll.u32 s8, $0x1;
	s5 =	sadd.s32 s6, s19  }
0x9e: {  	s9 =	simm.s32 $0x0;
	s20 =	sshll.u32 s7, $0x1;
	s7 =	sadd.s32 s21, s5  }
0x9f: {  	[timem:s9], [sflag:s22] =	dma.local [hbm:s7], s20  }
0xa0: {  	_ =	swait.ge [sflag:s22], s20  }
0xa1: {  	s6 =	ssub.s32 $0x0, s20;
	[sflag:s22] =	ssyncset.done $0x0  }
0xa2: {  	[sflag:s22] =	ssyncadd.s32 s6;
	_ =	sdelay $0x1  }
0xa3: {  	s23 =	simm.s32 $0x1B8B  }
0xa4: {  	_ =	swait.ge [sflag:s23], $0x1  }
0xa5: {  	[sflag:s23] =	ssyncset.done $0x0  }
0xa6: {  	s25 =	simm.s32 $0x1B8E;
	s24 =	sld [smem:$0x3FFE];
	[sflag:s23] =	ssyncadd.s32 $0xFFFFFFFF  }
0xa7: {  	s26 =	simm.s32 $execute0_lowered;
	[smem:$0x3FD2] =	sst s25  }
0xa8: {  	s7 =	sshll.u32 s26, $0x1;
	_ =	strace $0x80000046;
	[dreg:$0x1] =	wrdreg $0xFFFFFFFF  }
0xa9: {  	s28 =	simm.s32 $_size_execute0_lowered;
	s5 =	sadd.s32 s5, s7;
	[dreg:$0x0] =	wrdreg $0x0  }
0xaa: {  	s7 =	sshll.u32 s28, $0x1;
	[dreg:$0x2] =	wrdreg s5  }
0xab: {  	[dreg:$0x3] =	wrdreg s7  }
0xac: {  	[dreg:$0x4] =	wrdreg $0xC0  }
0xad: {  	_ =	task [dreg:s9], $0x5FFFF  }
0xae: {  	[dreg:$0x1] =	wrdreg $0xFFFFFFFF  }
0xaf: {  	[dreg:$0x0] =	wrdreg $0x60  }
0xb0: {  	[dreg:$0x2] =	wrdreg s2  }
0xb1: {  	[dreg:$0x3] =	wrdreg s18  }
0xb2: {  	[dreg:$0x4] =	wrdreg s24  }
0xb3: {  	[dreg:$0x5] =	wrdreg s4  }
0xb4: {  	[dreg:$0x6] =	wrdreg $0xC1800  }
0xb5: {  	[dreg:$0x7] =	wrdreg $0x9  }
0xb6: {  	_ =	task.clear_ibuf [dreg:s9], $0x8FFFF;
	_ =	strace $0x90000046  }
0xb7: {  	s29 =	simm.s32 $0x9;
	_ =	strace $0x80000048  }
0xb8: {  	_ =	swait.ge [sflag:s29], $0x1  }
0xb9: {  	[sflag:s29] =	ssyncadd.s32 $0xFFFFFFFF  }
0xba: {  	_ =	strace $0x90000048  }
0xbb: {  	_ =	sfence  }
0xbc: {  	s30 =	sld [smem:$0x0];
	_ =	sdelay $0x2  }
0xbd: {  	s31 =	sshll.u32 s1, $0xD;
	s1 =	sshrl.u32 s1, $0x2  }
0xbe: {  	s3 =	sand.u32 $0x4000, s31;
	s1 =	sadd.s32 s1, s30  }
0xbf: {  	s0 =	sor.u32 s3, s0;
	s1 =	sshll.u32 s1, $0x11  }
0xc0: {  	s0 =	sor.u32 s1, s0  }
0xc1: {  	s0 =	sadd.s32 $0x8F2B, s0  }
0xc2: {  	[sflag:s0] =	ssyncadd.remote.s32 $0x1  }
0xc3: {  	_ =	sfence.sel $0xFFFF  }
0xc4: {  	[dreg:$0x0] =	wrdreg $0xFFFFFFFF;
	(pc) =	sbr.abs _section_cstart, $3  }
0xc5: {  	[dreg:$0x1] =	wrdreg $0xFFFFFFFF  }
0xc6: {  	_ =	task.clear_ibuf [dreg:s9], $0x2FFFF;
	_ =	strace $0x9FFFFFFF  }
0xc7: {  	(tm) =	ssettm $0x7FFFFFFF  }
tec
execute0_lowered:
.L_overlay_start_1:
0x0: {  	(tag) =	ssettag $0x1  }
0x1: {  	s1 =	rddreg [dreg:$0x0]  }
0x2: {  	s2 =	rddreg [dreg:$0x1]  }
0x3: {  	s7 =	rddreg [dreg:$0x2]  }
0x4: {  	s9 =	rddreg [dreg:$0x3]  }
0x5: {  	s3 =	rddreg [dreg:$0x4]  }
0x6: {  	s4 =	srdreg.scid;
	s0 =	rddreg [dreg:$0x5]  }
0x7: {  	s5 =	simm.s32 $0x0;
	s13 =	sand.u32 $0x1, s4;
	s4 =	stileid.u32  }
0x8: {  	s19 =	simm.s32 $0x0;
	[smem:$0x7FF] =	sst s5;
	s8 =	smul.u32 $0x1388, s13  }
0x9: {  	s6 =	sadd.s32 $0x600, s7;
	s7 =	sadd.s32 $0x1A00, s7;
	s10 =	smul.u32 $0x140, s4  }
0xa: {  	_ =	strace $0x80000047;
	s11 =	smul.u32 $0x271000, s13;
	s12 =	ssub.s32 $0x2, s13  }
0xb: {  	p0 =	seq.s32 s4, $0xF;
	p1 =	seq.s32 s13, $0x0;
	s13 =	simm.s32 $0x1FA40  }
0xc: {  	s14 =	sshrl.u32 s12, $0x1;
	s16 =	sshll.u32 @!p0 s4, $0x6;
	s10 =	sadd.s32 s10, s8  }
0xd: {  	s11 =	sshrl.u32 s11, $0x2;
	s12 =	ssub.s32 s12, s14;
	s30 =	sadd.s32 $0x12C0, s8  }
0xe: {  	s14 =	simm.s32 $0x7;
	s16 =	sor.u32 @!p0 $0x1C07, s16;
	s15 =	sshll.u32 s10, $0x7  }
0xf: {  	s11 =	sadd.s32 s11, s3;
	s10 =	sshll.u32 s10, $0x4;
	s31 =	sshll.u32 s30, $0x7  }
0x10: {  	s17 =	sadd.s32 s15, s3;
	s15 =	sadd.s32 $0x96000, s11;
	s8 =	sadd.s32 s9, s10  }
0x11: {  	s11 =	sshll.u32 s30, $0x4;
	s18 =	sadd.s32 s31, s3;
	s10 =	smax.u32 s12, $0x1  }
0x12: {  	s12 =	sshll.u32 s4, $0xB;
	s9 =	sadd.s32 s9, s11;
	s11 =	sshll.u32 s4, $0x4  }
0x13: {  	s15 =	sshrl.u32 @p0 s15, $0x3;
	s17 =	sshrl.u32 @!p0 s17, $0x3;
	s18 =	sshrl.u32 @p0 s18, $0x3  }
.LBB2_1:
0x14: {  	[tilespmem:s13], [sflag:$0x7] =	stream.linear.gather [hbm4b:s7+s5], $0x80, $0x38;
	[tilespmem:$0x1FAC0] =	vst v63  }
0x15: {  	_ =	swait.ge [sflag:s14], $0x80  }
0x16: {  	[sflag:s14] =	ssyncset.done $0x0  }
0x17: {  	[sflag:s14] =	ssyncadd.s32 $0xFFFFFF80  }
0x18: {  	v0 =	vld [tilespmem:$0x1FA40];
	_ =	sdelay $0x4  }
0x19: {  	(v2sf) =	vpush v0, $0x0;
	_ =	sdelay $0xe  }
0x1a: {  	s20 =	spop (v2sf)  }
0x1b: {  	s21 =	sshra.s32 s20, $0x1F;
	s22 =	sand.u32 $0x7F, s20  }
0x1c: {  	s23 =	sadd.s32 $0x7F, s20;
	p2 =	slt.s32 s20, $0x1;
	s21 =	sshrl.u32 s21, $0x19  }
0x1d: {  	p3 =	sne.s32 s22, $0x0;
	s26 =	sand.u32 $0x7F, s23;
	p6 =	slt.s32 s23, $0x1  }
0x1e: {  	s29 =	sshra.s32 s23, $0x1F;
	s22 =	simm.s32 $0x1;
	p4 =	sne.s32 s26, $0x0  }
0x1f: {  	s21 =	sadd.s32 s21, s20;
	p2 =	por !p2, !p3;
	p3 =	por !p6, !p4  }
0x20: {  	s28 =	sshra.s32 s21, $0x7;
	p2 =	por !p2, !p2;
	s21 =	sshrl.u32 s29, $0x19  }
0x21: {  	s21 =	sadd.s32 s21, s23;
	p3 =	por !p3, !p3;
	s23 =	simm.s32 $0x1  }
0x22: {  	s22 =	simm.s32 @!p2 $0x0;
	s21 =	sshra.s32 s21, $0x7;
	s23 =	simm.s32 @!p3 $0x0  }
0x23: {  	s22 =	ssub.s32 s28, s22;
	s20 =	ssub.s32 s21, s23  }
0x24: {  	s22 =	simm.s32 @p1 $0x0;
	s21 =	simm.s32 @p0 $0x1FC7;
	s20 =	simm.s32 @!p1 $0x9C4  }
0x25: {  	[spmem:s15], [sflag:s21] =	dma.local @p0 [hbm:s6], $0xC80  }
0x26: {  	s30 =	ssub.s32 s20, s22  }
0x27: {  	s31 =	sadd.s32 $0xF, s30  }
0x28: {  	s24 =	sand.u32 $0xF, s31  }
0x29: {  	p5 =	slt.s32 s30, $0xFFFFFFF2;
	p6 =	sne.s32 s24, $0x0  }
0x2a: {  	s21 =	simm.s32 @p0 $0x7;
	s25 =	sshrl.u32 s31, $0x1C;
	p2 =	por !p5, !p6  }
0x2b: {  	s23 =	sadd.s32 s25, s31;
	s24 =	simm.s32 $0x1;
	p2 =	por !p2, !p2  }
0x2c: {  	_ =	swait.ge @p0 [sflag:s21], $0xC80;
	s23 =	sshra.s32 s23, $0x4;
	s24 =	simm.s32 @!p2 $0x0  }
0x2d: {  	[sflag:s21] =	ssyncset.done @p0 $0x0;
	s23 =	ssub.s32 s23, s24  }
0x2e: {  	[sflag:s21] =	ssyncadd.s32 @p0 $0xFFFFF380;
	s26 =	smul.u32 s4, s23  }
0x2f: {  	[spmem:s17], [sflag:s16] =	dma.local @!p0 [hbm:s6], $0x1400  }
0x30: {  	s21 =	sadd.s32 s22, s26  }
0x31: {  	s24 =	sadd.s32 s23, s21  }
0x32: {  	s25 =	simm.s32 @!p0 $0x7;
	p2 =	slt.s32 s24, s20  }
0x33: {  	_ =	swait.ge @!p0 [sflag:s25], $0x1400;
	s20 =	smov.u32 @p2 s24  }
0x34: {  	[sflag:s25] =	ssyncset.done @!p0 $0x0;
	p2 =	sle.s32 s20, s21  }
0x35: {  	[sflag:s25] =	ssyncadd.s32 @!p0 $0xFFFFEC00;
	s24 =	sshll.u32 @!p2 s21, $0x4  }
0x36: {  	[bflag:$0x0] =	sbarrier.arrive $0xFFFF;
	s24 =	sand.u32 @!p2 $0x1FFFFFF0, s24  }
0x37: {  	s25 =	simm.s32 @!p2 $0x0;
	s26 =	simm.s32 @!p2 $0xC000;
	s24 =	sadd.s32 @!p2 s2, s24  }
0x38: {  	[tilespmem:s26], [sflag:$0x4] =	stream.linear.gather @!p2 [hbm4b:s24+s25], $0x80, $0x38;
	[tilespmem:$0x1FAC0] =	vst v63  }
0x39: {  	s24 =	sshll.u32 @!p2 s21, $0xB  }
0x3a: {  	s24 =	sand.u32 @!p2 $0x1FFFF800, s24  }
0x3b: {  	s24 =	sadd.s32 @!p2 s1, s24  }
0x3c: {  	[tilespmem:s25], [sflag:$0x1] =	stream.linear.gather @!p2 [hbm4b:s24+s25], $0x4000, $0x38;
	[tilespmem:$0x1FAC0] =	vst v63  }
0x3d: {  	s24 =	sadd.s32 $0x1, s21  }
0x3e: {  	p2 =	sge.s32 s24, s20  }
0x3f: {  	s25 =	sshll.u32 @!p2 s24, $0x4  }
0x40: {  	s25 =	sand.u32 @!p2 $0x1FFFFFF0, s25  }
0x41: {  	s26 =	simm.s32 @!p2 $0x0;
	s28 =	simm.s32 @!p2 $0xC080;
	s25 =	sadd.s32 @!p2 s2, s25  }
0x42: {  	[tilespmem:s28], [sflag:$0x5] =	stream.linear.gather @!p2 [hbm4b:s25+s26], $0x80, $0x38;
	[tilespmem:$0x1FAC0] =	vst v63  }
0x43: {  	s25 =	ssub.s32 s20, s21  }
0x44: {  	p3 =	sgt.s32 s25, $0x0  }
0x45: {  	s24 =	sshll.u32 @!p2 s24, $0xB;
	s25 =	simm.s32 @!p3 $0x0  }
0x46: {  	s29 =	smul.u32 s23, s11;
	s24 =	sand.u32 @!p2 $0x1FFFF800, s24;
	s25 =	sadd.s32 $0x2, s25  }
0x47: {  	s24 =	sadd.s32 @!p2 s1, s24;
	s28 =	simm.s32 @!p2 $0x4000;
	s25 =	smulhi.u32 $0x55555556, s25  }
0x48: {  	[tilespmem:s28], [sflag:$0x2] =	stream.linear.gather @!p2 [hbm4b:s24+s26], $0x4000, $0x38;
	[tilespmem:$0x1FAC0] =	vst v63  }
0x49: {  	s28 =	smul.u32 $0x3, s25  }
0x4a: {  	s30 =	sshll.u32 s22, $0x4;
	s23 =	smul.u32 s23, s12  }
0x4b: {  	s31 =	sshll.u32 s22, $0xB;
	s22 =	sadd.s32 s30, s29;
	s24 =	sadd.s32 $0x3, s28  }
0x4c: {  	s23 =	sadd.s32 s31, s23;
	[dreg:$0x6] =	wrdreg s24;
	s24 =	simm.s32 $0x0  }
.LBB2_2:
0x4d: {  	s28 =	sadd.s32 s24, s21  }
0x4e: {  	s25 =	sadd.s32 $0x2, s28  }
0x4f: {  	p2 =	sge.s32 s25, s20  }
0x50: {  	s25 =	sadd.s32 @!p2 $0x20, s22  }
0x51: {  	s25 =	sand.u32 @!p2 $0x1FFFFFF0, s25  }
0x52: {  	s29 =	simm.s32 @!p2 $0x0;
	s26 =	sadd.s32 @!p2 s2, s25;
	s25 =	simm.s32 @!p2 $0xC100  }
0x53: {  	[tilespmem:s25], [sflag:$0x6] =	stream.linear.gather @!p2 [hbm4b:s26+s29], $0x80, $0x38;
	[tilespmem:$0x1FAC0] =	vst v63  }
0x54: {  	s26 =	sadd.s32 @!p2 $0x1000, s23  }
0x55: {  	s26 =	sand.u32 @!p2 $0x1FFFF800, s26  }
0x56: {  	p3 =	sge.s32 s28, s20;
	s30 =	sadd.s32 @!p2 s1, s26;
	s26 =	simm.s32 @!p2 $0x8000  }
0x57: {  	[tilespmem:s26], [sflag:$0x3] =	stream.linear.gather @!p2 [hbm4b:s30+s29], $0x4000, $0x38;
	[tilespmem:$0x1FAC0] =	vst v63  }
0x58: {  	s29 =	simm.s32 @!p3 $0x4  }
0x59: {  	_ =	swait.ge @!p3 [sflag:s29], $0x80  }
0x5a: {  	[sflag:s29] =	ssyncset.done @!p3 $0x0  }
0x5b: {  	[sflag:s29] =	ssyncadd.s32 @!p3 $0xFFFFFF80;
	s29 =	simm.s32 @!p3 $0x1  }
0x5c: {  	_ =	swait.ge @!p3 [sflag:s29], $0x4000  }
0x5d: {  	s31 =	simm.s32 @!p3 $0x0;
	[sflag:s29] =	ssyncset.done @!p3 $0x0  }
0x5e: {  	s30 =	simm.s32 @!p3 $0xC000;
	[sflag:s29] =	ssyncadd.s32 @!p3 $0xFFFFC000;
	s29 =	simm.s32 @!p3 $0x80  }
0x5f: {  	[spmem:s3] =	stream.indirect.scatter.add.f32 @!p3 [tilespmem:s31], [sflag:$0x8], $0x80, s30, s29, $0xb8;
	[tilespmem:$0x1FAC0] =	vst v63  }
0x60: {  	s29 =	simm.s32 @!p3 $0x8;
	s31 =	sadd.s32 $0x3, s28  }
0x61: {  	_ =	swait.ge @!p3 [sflag:s29], $0x4000;
	p4 =	sge.s32 s31, s20  }
0x62: {  	[sflag:s29] =	ssyncset.done @!p3 $0x0;
	s30 =	sadd.s32 @!p4 $0x30, s22  }
0x63: {  	[sflag:s29] =	ssyncadd.s32 @!p3 $0xFFFFC000;
	s29 =	sand.u32 @!p4 $0x1FFFFFF0, s30  }
0x64: {  	s31 =	simm.s32 @!p4 $0xC000;
	s30 =	simm.s32 @!p4 $0x0;
	s29 =	sadd.s32 @!p4 s2, s29  }
0x65: {  	[tilespmem:s31], [sflag:$0x4] =	stream.linear.gather @!p4 [hbm4b:s29+s30], $0x80, $0x38;
	[tilespmem:$0x1FAC0] =	vst v63  }
0x66: {  	s29 =	sadd.s32 @!p4 $0x1800, s23  }
0x67: {  	s29 =	sand.u32 @!p4 $0x1FFFF800, s29  }
0x68: {  	s29 =	sadd.s32 @!p4 s1, s29  }
0x69: {  	[tilespmem:s30], [sflag:$0x1] =	stream.linear.gather @!p4 [hbm4b:s29+s30], $0x4000, $0x38;
	[tilespmem:$0x1FAC0] =	vst v63  }
0x6a: {  	s30 =	sadd.s32 $0x1, s28  }
0x6b: {  	p3 =	sge.s32 s30, s20  }
0x6c: {  	s29 =	simm.s32 @!p3 $0x5  }
0x6d: {  	_ =	swait.ge @!p3 [sflag:s29], $0x80  }
0x6e: {  	[sflag:s29] =	ssyncset.done @!p3 $0x0  }
0x6f: {  	[sflag:s29] =	ssyncadd.s32 @!p3 $0xFFFFFF80;
	s29 =	simm.s32 @!p3 $0x2  }
0x70: {  	s28 =	sadd.s32 $0x4, s28;
	_ =	swait.ge @!p3 [sflag:s29], $0x4000  }
0x71: {  	p4 =	sge.s32 s28, s20;
	s30 =	simm.s32 @!p3 $0xC080;
	[sflag:s29] =	ssyncset.done @!p3 $0x0  }
0x72: {  	s31 =	simm.s32 @!p3 $0x4000;
	[sflag:s29] =	ssyncadd.s32 @!p3 $0xFFFFC000;
	s29 =	simm.s32 @!p3 $0x80  }
0x73: {  	[spmem:s3] =	stream.indirect.scatter.add.f32 @!p3 [tilespmem:s31], [sflag:$0x8], $0x80, s30, s29, $0xb8;
	[tilespmem:$0x1FAC0] =	vst v63  }
0x74: {  	s28 =	sadd.s32 @!p4 $0x40, s22;
	s29 =	simm.s32 @!p3 $0x8  }
0x75: {  	s28 =	sand.u32 @!p4 $0x1FFFFFF0, s28;
	_ =	swait.ge @!p3 [sflag:s29], $0x4000  }
0x76: {  	s28 =	sadd.s32 @!p4 s2, s28;
	[sflag:s29] =	ssyncset.done @!p3 $0x0  }
0x77: {  	s30 =	simm.s32 @!p4 $0xC080;
	[sflag:s29] =	ssyncadd.s32 @!p3 $0xFFFFC000;
	s29 =	simm.s32 @!p4 $0x0  }
0x78: {  	[tilespmem:s30], [sflag:$0x5] =	stream.linear.gather @!p4 [hbm4b:s28+s29], $0x80, $0x38;
	[tilespmem:$0x1FAC0] =	vst v63  }
0x79: {  	s28 =	sadd.s32 @!p4 $0x2000, s23  }
0x7a: {  	s28 =	sand.u32 @!p4 $0x1FFFF800, s28  }
0x7b: {  	s30 =	simm.s32 @!p4 $0x4000;
	s28 =	sadd.s32 @!p4 s1, s28  }
0x7c: {  	[tilespmem:s30], [sflag:$0x2] =	stream.linear.gather @!p4 [hbm4b:s28+s29], $0x4000, $0x38;
	[tilespmem:$0x1FAC0] =	vst v63  }
0x7d: {  	s28 =	simm.s32 @!p2 $0x6  }
0x7e: {  	_ =	swait.ge @!p2 [sflag:s28], $0x80  }
0x7f: {  	[sflag:s28] =	ssyncset.done @!p2 $0x0  }
0x80: {  	[sflag:s28] =	ssyncadd.s32 @!p2 $0xFFFFFF80;
	s28 =	simm.s32 @!p2 $0x3  }
0x81: {  	_ =	swait.ge @!p2 [sflag:s28], $0x4000  }
0x82: {  	[sflag:s28] =	ssyncset.done @!p2 $0x0  }
0x83: {  	[sflag:s28] =	ssyncadd.s32 @!p2 $0xFFFFC000;
	s28 =	simm.s32 @!p2 $0x80  }
0x84: {  	[spmem:s3] =	stream.indirect.scatter.add.f32 @!p2 [tilespmem:s26], [sflag:$0x7], $0x80, s25, s28, $0xb8;
	[tilespmem:$0x1FAC0] =	vst v63  }
0x85: {  	s25 =	simm.s32 @!p2 $0x7  }
0x86: {  	_ =	swait.ge @!p2 [sflag:s25], $0x4000  }
0x87: {  	s24 =	sadd.s32 $0x3, s24;
	s31 =	rddreg [dreg:$0x6]  }
0x88: {  	p3 =	sne.s32 s31, s24  }
.Ltmp0:
0x89: {  	_ = 	snop;
	(pc) =	sbr.rel @p3 .LBB2_2-.Ltmp0, $3  }
0x8a: {  	_ =	sdelay $0x1  }
0x8b: {  	[sflag:s25] =	ssyncset.done @!p2 $0x0  }
0x8c: {  	s22 =	sadd.s32 $0x30, s22;
	s23 =	sadd.s32 $0x1800, s23;
	[sflag:s25] =	ssyncadd.s32 @!p2 $0xFFFFC000  }
0x8d: {  	[bflag:$0x0] =	sbarrier.arrive $0xFFFF;
	s20 =	simm.s32 @p0 $0x1FC7  }
0x8e: {  	[hbm:s9], [sflag:s20] =	dma.local @p0 [spmem:s18], $0xC80  }
0x8f: {  	s20 =	simm.s32 @p0 $0x7  }
0x90: {  	s19 =	sadd.s32 $0x1, s19;
	_ =	swait.ge @p0 [sflag:s20], $0xC80  }
0x91: {  	p2 =	sne.s32 s19, s10;
	[sflag:s20] =	ssyncset.done @p0 $0x0  }
.Ltmp1:
0x92: {  	[sflag:s20] =	ssyncadd.s32 @p0 $0xFFFFF380;
	s20 =	simm.s32 @!p0 $0x7;
	(pc) =	sbr.rel @p2 .LBB2_1-.Ltmp1, $4  }
0x93: {  	[hbm:s8], [sflag:s16] =	dma.local @!p0 [spmem:s17], $0x1400  }
0x94: {  	_ =	swait.ge @!p0 [sflag:s20], $0x1400  }
0x95: {  	[sflag:s20] =	ssyncset.done @!p0 $0x0  }
0x96: {  	[sflag:s20] =	ssyncadd.s32 @!p0 $0xFFFFEC00  }
0x97: {  	_ =	sfence.sel $0x180000  }
0x98: {  	[bflag:$0x0] =	sbarrier.arrive $0xFFFF  }
0x99: {  	p0 =	sne.s32 s4, $0x0;
	_ =	strace $0x90000047  }
0x9a: {  	s0 =	sadd.s32 @!p0 $0x100000, s0;
	[bflag:$0x2] =	sbarrier.arrive $0xFFFF  }
0x9b: {  	[sflag:s0] =	ssyncadd.tile.s32 @!p0 $0x1;
	_ =	shalt  }
.Lfunc_end2:
_tile_overlayer_lowered:
.L_overlay_start_2:
0x9c: {  	(tag) =	ssettag $0x2  }
0x9d: {  	s0 =	rddreg [dreg:$0x0];
	s2 =	stileid.u32  }
0x9e: {  	s1 =	rddreg [dreg:$0x1];
	p0 =	sne.s32 s2, $0x0  }
0x9f: {  	s3 =	rddreg [dreg:$0x2];
	[bflag:$0x3] =	sbarrier.arrive $0xFFFF;
	s2 =	simm.s32 @!p0 $0x1C07  }
0xa0: {  	[timem:s3], [sflag:s2] =	dma.local @!p0 [hbm:s0], s1  }
0xa1: {  	s0 =	simm.s32 @!p0 $0x7  }
0xa2: {  	_ =	swait.ge @!p0 [sflag:s0], s1  }
0xa3: {  	s1 =	ssub.s32 @!p0 $0x0, s1;
	[sflag:s0] =	ssyncset.done @!p0 $0x0  }
0xa4: {  	[sflag:s0] =	ssyncadd.s32 @!p0 s1  }
0xa5: {  	[bflag:$0x3] =	sbarrier.arrive $0xFFFF  }
0xa6: {  	_ =	shalt  }

</sc_bundles>
